<compile_context>
chip_gen: v7x
topology: tpu7x:2x2x1
jax: 0.10.2.dev20260603
libtpu: 0.0.44.dev20260713+nightly
codegen_flags: <defaults>
</compile_context>

<pallas_src>
import jax
import jax.numpy as jnp
from jax import lax
from jax.experimental import pallas as pl
from jax.experimental.pallas import tpu as pltpu
from jax.experimental.pallas import tpu_sc as plsc

B = 1024
D = 768
L = 16
NW = 32
RPW = B // NW
HALF = RPW // 2
N_SCORES = 100000
MM_CHUNK = 6256
MM_LAST = N_SCORES - MM_CHUNK
MM_A = 3136
MM_B = MM_CHUNK - MM_A


def _xlane(v, buf, op):
    i = lax.iota(jnp.int32, L)
    for m in (1, 2, 4, 8):
        buf[...] = v
        v = op(v, plsc.load_gather(buf, [i ^ m]))
    return v


def _vsqrt(x):
    i = plsc.bitcast(x, jnp.int32)
    y = plsc.bitcast(jnp.int32(0x5F3759DF) - lax.shift_right_logical(i, 1),
                     jnp.float32)
    for _ in range(3):
        y = y * (1.5 - 0.5 * x * y * y)
    return x * y


def _body(hidx_hbm, ridx_hbm, tidx_hbm, text_hbm, image_hbm, rel_hbm,
          scores_hbm, out_hbm,
          hidx_v, ridx_v, tidx_v, sh_v, st_v,
          th0_v, ih0_v, tt0_v, it0_v, r0_v,
          th1_v, ih1_v, tt1_v, it1_v, r1_v,
          mm_v, mm2_v, part_v, allp_v, shared_mm, xl_v, out_v,
          sem_e0, sem_e1, sem_sc, sem_st):
    emb_bufs = ((th0_v, ih0_v, tt0_v, it0_v, r0_v),
                (th1_v, ih1_v, tt1_v, it1_v, r1_v))
    c = lax.axis_index("c")
    s = lax.axis_index("s")
    wid = s * 2 + c
    base = wid * RPW
    row_i = lax.iota(jnp.int32, L)

    off = jnp.minimum(s * MM_CHUNK, MM_LAST)
    cp_hi = pltpu.async_copy(hidx_hbm.at[pl.ds(base, RPW)], hidx_v, sem_st)
    cp_ri = pltpu.async_copy(ridx_hbm.at[pl.ds(base, RPW)], ridx_v, sem_st)
    cp_ti = pltpu.async_copy(tidx_hbm.at[pl.ds(base, RPW)], tidx_v, sem_st)
    cp_m1 = pltpu.async_copy(scores_hbm.at[pl.ds(off, MM_A)], mm_v, sem_st)
    cp_m2 = pltpu.async_copy(scores_hbm.at[pl.ds(off + MM_A, MM_B)],
                             mm2_v, sem_st)
    cp_hi.wait()
    cp_ri.wait()
    cp_ti.wait()

    def fire_half(half, sem):
        hs = hidx_v.at[pl.ds(half * HALF, HALF)]
        rs = ridx_v.at[pl.ds(half * HALF, HALF)]
        ts = tidx_v.at[pl.ds(half * HALF, HALF)]
        th_v, ih_v, tt_v, it_v, r_v = emb_bufs[half]
        return [
            pltpu.async_copy(text_hbm.at[hs], th_v, sem),
            pltpu.async_copy(image_hbm.at[hs], ih_v, sem),
            pltpu.async_copy(text_hbm.at[ts], tt_v, sem),
            pltpu.async_copy(image_hbm.at[ts], it_v, sem),
            pltpu.async_copy(rel_hbm.at[rs], r_v, sem),
        ]

    cp_sh = pltpu.async_copy(scores_hbm.at[hidx_v], sh_v, sem_sc)
    cp_st = pltpu.async_copy(scores_hbm.at[tidx_v], st_v, sem_sc)
    cps0 = fire_half(0, sem_e0)
    cps1 = fire_half(1, sem_e1)

    def mm_pass(buf, n, carry):
        def step(k, ca):
            vmn, vmx = ca
            v = buf[pl.ds(k * L, L)]
            return jnp.minimum(vmn, v), jnp.maximum(vmx, v)
        return lax.fori_loop(0, n, step, carry, unroll=2)

    cp_m1.wait()
    cp_m2.wait()
    v0 = mm_v[pl.ds(0, L)]
    vmn, vmx = mm_pass(mm_v, MM_A // L, (v0, v0))
    vmn, vmx = mm_pass(mm2_v, MM_B // L, (vmn, vmx))
    part_v[pl.ds(0, L)] = vmn
    part_v[pl.ds(L, L)] = vmx
    pltpu.sync_copy(part_v, shared_mm.at[pl.ds(s * 2 * L, 2 * L)])
    plsc.subcore_barrier()
    pltpu.sync_copy(shared_mm, allp_v)
    for i in range(16):
        vmn = jnp.minimum(vmn, allp_v[pl.ds(i * 2 * L, L)])
        vmx = jnp.maximum(vmx, allp_v[pl.ds(i * 2 * L + L, L)])
    mn = _xlane(vmn, xl_v, jnp.minimum)
    mx = _xlane(vmx, xl_v, jnp.maximum)
    inv_den = 1.0 / (mx - mn)

    cp_sh.wait()
    cp_st.wait()

    for half in range(2):
        th_v, ih_v, tt_v, it_v, r_v = emb_bufs[half]
        for cp in (cps0 if half == 0 else cps1):
            cp.wait()
        hb = half * HALF
        hr_vec = (sh_v[pl.ds(hb, HALF)] - mn) * inv_den
        tr_vec = (st_v[pl.ds(hb, HALF)] - mn) * inv_den
        ah_vec = 1.0 / (1.0 + hr_vec)
        bh_vec = hr_vec * ah_vec
        at_vec = 1.0 / (1.0 + tr_vec)
        bt_vec = tr_vec * at_vec

        @plsc.parallel_loop(0, D, unroll=2,
                            carry=jnp.zeros((L,), jnp.float32))
        def acc(p, a):
            pvec = p + row_i
            pvec = jnp.where(pvec >= D, pvec - D, pvec)
            th = plsc.load_gather(th_v, [row_i, pvec])
            ih = plsc.load_gather(ih_v, [row_i, pvec])
            tt = plsc.load_gather(tt_v, [row_i, pvec])
            it = plsc.load_gather(it_v, [row_i, pvec])
            rl = plsc.load_gather(r_v, [row_i, pvec])
            d = (ah_vec * th + bh_vec * ih + rl
                 - at_vec * tt - bt_vec * it)
            return a + d * d
        out_v[pl.ds(hb, HALF)] = _vsqrt(acc)

    pltpu.sync_copy(out_v, out_hbm.at[pl.ds(base, RPW)])


@jax.jit
def _score(h_idx, r_idx, t_idx, text, image, rel, scores):
    mesh = plsc.VectorSubcoreMesh(core_axis_name="c", subcore_axis_name="s")
    f = pl.kernel(
        _body,
        out_type=jax.ShapeDtypeStruct((B,), jnp.float32),
        mesh=mesh,
        compiler_params=pltpu.CompilerParams(needs_layout_passes=False),
        scratch_types=[
            pltpu.VMEM((RPW,), jnp.int32),
            pltpu.VMEM((RPW,), jnp.int32),
            pltpu.VMEM((RPW,), jnp.int32),
            pltpu.VMEM((RPW,), jnp.float32),
            pltpu.VMEM((RPW,), jnp.float32),
            pltpu.VMEM((HALF, D), jnp.float32),
            pltpu.VMEM((HALF, D), jnp.float32),
            pltpu.VMEM((HALF, D), jnp.float32),
            pltpu.VMEM((HALF, D), jnp.float32),
            pltpu.VMEM((HALF, D), jnp.float32),
            pltpu.VMEM((HALF, D), jnp.float32),
            pltpu.VMEM((HALF, D), jnp.float32),
            pltpu.VMEM((HALF, D), jnp.float32),
            pltpu.VMEM((HALF, D), jnp.float32),
            pltpu.VMEM((HALF, D), jnp.float32),
            pltpu.VMEM((MM_A,), jnp.float32),
            pltpu.VMEM((MM_B,), jnp.float32),
            pltpu.VMEM((2 * L,), jnp.float32),
            pltpu.VMEM((16 * 2 * L,), jnp.float32),
            pltpu.VMEM_SHARED((16 * 2 * L,), jnp.float32),
            pltpu.VMEM((L,), jnp.float32),
            pltpu.VMEM((RPW,), jnp.float32),
            pltpu.SemaphoreType.DMA,
            pltpu.SemaphoreType.DMA,
            pltpu.SemaphoreType.DMA,
            pltpu.SemaphoreType.DMA,
        ],
    )
    return f(h_idx, r_idx, t_idx, text, image, rel, scores)


def kernel(hrt_neighbor, text_embedding, image_embedding, relation_embedding,
           entity_scores):
    pos = hrt_neighbor[:, 0, 0, :].astype(jnp.int32)
    return _score(pos[:, 0], pos[:, 1], pos[:, 2], text_embedding,
                  image_embedding, relation_embedding, entity_scores)

# --- scband reference (transcript-rebuilt; emitter-appended) ---
"""Pipeline reference for scband-initial-score-3530463117948 (READ-ONLY COPY).

The authoritative reference and input builder live on the scoring server;
editing this copy changes nothing except your own understanding.
"""

import jax, jax.numpy as jnp
import numpy as np

NUM_ENTITIES = 100000
NUM_RELATIONS = 1000
EMBED_DIM = 768
NEIGHBOR_NUMBER = 5
BATCH = 1024
GROUP = (NEIGHBOR_NUMBER + 1) * 2  # 12


def setup_inputs(seed: int = 0) -> dict:
    key = jax.random.key(seed)
    k1, k2, k3, k4, k5 = jax.random.split(key, 5)
    # indices in [0, 1000) are valid for both the relation table (vocab 1000)
    # and the entity tables (vocab 100000)
    hrt_neighbor = jax.random.randint(k1, (BATCH, 2, GROUP, 3), 0, NUM_RELATIONS)
    text_embedding = jax.random.normal(k2, (NUM_ENTITIES, EMBED_DIM), dtype=jnp.float32)
    image_embedding = jax.random.normal(k3, (NUM_ENTITIES, EMBED_DIM), dtype=jnp.float32)
    relation_embedding = jax.random.normal(k4, (NUM_RELATIONS, EMBED_DIM), dtype=jnp.float32)
    entity_scores = jax.random.uniform(k5, (NUM_ENTITIES,), dtype=jnp.float32)
    return {
        "hrt_neighbor": hrt_neighbor,
        "text_embedding": text_embedding,
        "image_embedding": image_embedding,
        "relation_embedding": relation_embedding,
        "entity_scores": entity_scores,
    }


def reference(hrt_neighbor, text_embedding, image_embedding, relation_embedding, entity_scores):
    # The original torch forward loops over hrt_neighbor's two outer levels and
    # concatenates aggregate_embedding outputs row-wise; since aggregation is
    # purely per-triple, that is identical to flattening all triples, doing the
    # lookups/aggregation in one shot, then reshaping to (-1, 2, GROUP, 768).
    max_score = jnp.max(entity_scores)
    min_score = jnp.min(entity_scores)
    samples = hrt_neighbor.reshape(-1, 3)
    h_idx = samples[:, 0]
    r_idx = samples[:, 1]
    t_idx = samples[:, 2]
    head_text = jnp.take(text_embedding, h_idx, axis=0)
    tail_text = jnp.take(text_embedding, t_idx, axis=0)
    head_image = jnp.take(image_embedding, h_idx, axis=0)
    tail_image = jnp.take(image_embedding, t_idx, axis=0)
    relation = jnp.take(relation_embedding, r_idx, axis=0)
    head_entity_score = jnp.take(entity_scores, h_idx, axis=0)
    tail_entity_score = jnp.take(entity_scores, t_idx, axis=0)
    denom = max_score - min_score
    head_radio = ((head_entity_score - min_score) / denom)[:, None]
    tail_radio = ((tail_entity_score - min_score) / denom)[:, None]
    head = (head_text + head_radio * head_image) / (1.0 + head_radio)
    tail = (tail_text + tail_radio * tail_image) / (1.0 + tail_radio)
    batch_head = head.reshape(-1, 2, GROUP, EMBED_DIM)
    batch_relation = relation.reshape(-1, 2, GROUP, EMBED_DIM)
    batch_tail = tail.reshape(-1, 2, GROUP, EMBED_DIM)
    positive_head = batch_head[:, 0, 0, :]
    positive_relation = batch_relation[:, 0, 0, :]
    positive_tail = batch_tail[:, 0, 0, :]
    score = positive_head + positive_relation - positive_tail
    score = jnp.linalg.norm(score, ord=2, axis=1)
    return score

if __name__ == "__main__":
    import jax
    _d = setup_inputs()
    print(jax.jit(kernel)(*tuple(_d.values())))

</pallas_src>

<mosaic_0001>
#map = affine_map<(d0, d1) -> (0)>
#map1 = affine_map<(d0, d1) -> (0, 0)>
module attributes {stable_mosaic.version = 14 : i64} {
  func.func @_body(%arg0: i32, %arg1: i32, %arg2: memref<1024xi32, #tpu.memory_space<hbm>>, %arg3: memref<1024xi32, #tpu.memory_space<hbm>>, %arg4: memref<1024xi32, #tpu.memory_space<hbm>>, %arg5: memref<100000x768xf32, #tpu.memory_space<hbm>>, %arg6: memref<100000x768xf32, #tpu.memory_space<hbm>>, %arg7: memref<1000x768xf32, #tpu.memory_space<hbm>>, %arg8: memref<100000xf32, #tpu.memory_space<hbm>>, %arg9: memref<1024xf32, #tpu.memory_space<hbm>>, %arg10: memref<32xi32, #tpu.memory_space<vmem>>, %arg11: memref<32xi32, #tpu.memory_space<vmem>>, %arg12: memref<32xi32, #tpu.memory_space<vmem>>, %arg13: memref<32xf32, #tpu.memory_space<vmem>>, %arg14: memref<32xf32, #tpu.memory_space<vmem>>, %arg15: memref<16x768xf32, #tpu.memory_space<vmem>>, %arg16: memref<16x768xf32, #tpu.memory_space<vmem>>, %arg17: memref<16x768xf32, #tpu.memory_space<vmem>>, %arg18: memref<16x768xf32, #tpu.memory_space<vmem>>, %arg19: memref<16x768xf32, #tpu.memory_space<vmem>>, %arg20: memref<16x768xf32, #tpu.memory_space<vmem>>, %arg21: memref<16x768xf32, #tpu.memory_space<vmem>>, %arg22: memref<16x768xf32, #tpu.memory_space<vmem>>, %arg23: memref<16x768xf32, #tpu.memory_space<vmem>>, %arg24: memref<16x768xf32, #tpu.memory_space<vmem>>, %arg25: memref<3136xf32, #tpu.memory_space<vmem>>, %arg26: memref<3120xf32, #tpu.memory_space<vmem>>, %arg27: memref<32xf32, #tpu.memory_space<vmem>>, %arg28: memref<512xf32, #tpu.memory_space<vmem>>, %arg29: memref<512xf32, #tpu.memory_space<vmem_shared>>, %arg30: memref<16xf32, #tpu.memory_space<vmem>>, %arg31: memref<32xf32, #tpu.memory_space<vmem>>, %arg32: memref<!tpu.dma_semaphore, #tpu.memory_space<semaphore_mem>>, %arg33: memref<!tpu.dma_semaphore, #tpu.memory_space<semaphore_mem>>, %arg34: memref<!tpu.dma_semaphore, #tpu.memory_space<semaphore_mem>>, %arg35: memref<!tpu.dma_semaphore, #tpu.memory_space<semaphore_mem>>) attributes {dimension_semantics = [#tpu.dimension_semantics<core_parallel>, #tpu.dimension_semantics<subcore_parallel>], iteration_bounds = array<i64: 2, 16>, scalar_prefetch = 0 : i64, scratch_operands = 26 : i64, tpu.core_type = #tpu.core_type<sc_vector_subcore>, window_params = [{transform_indices = #map}, {transform_indices = #map}, {transform_indices = #map}, {transform_indices = #map1}, {transform_indices = #map1}, {transform_indices = #map1}, {transform_indices = #map}, {transform_indices = #map}]} {
    %mul3A = arith.constant 2 : i32
    %mul3A_0 = arith.muli %arg1, %mul3A : i32
    %add3A = arith.addi %mul3A_0, %arg0 : i32
    %mul3A_1 = arith.constant 32 : i32
    %mul3A_2 = arith.muli %add3A, %mul3A_1 : i32
    %iota3A = tpu.iota {dimensions = array<i32: 0>} : vector<16xi32>
    %mul3A_3 = arith.constant 6256 : i32
    %mul3A_4 = arith.muli %arg1, %mul3A_3 : i32
    %min3A = arith.constant 93744 : i32
    %min3A_5 = arith.minsi %mul3A_4, %min3A : i32
    %dma_start3A = tpu.memref_slice %arg2[%mul3A_2] : memref<1024xi32, #tpu.memory_space<hbm>> -> memref<32xi32, #tpu.memory_space<hbm>>
    %dma_start3A_6 = tpu.memref_slice %arg2[%mul3A_2] : memref<1024xi32, #tpu.memory_space<hbm>> -> memref<32xi32, #tpu.memory_space<hbm>>
    tpu.enqueue_dma source(%dma_start3A_6 : memref<32xi32, #tpu.memory_space<hbm>>) target(%arg10 : memref<32xi32, #tpu.memory_space<vmem>>) target_semaphore(%arg35 : memref<!tpu.dma_semaphore, #tpu.memory_space<semaphore_mem>>)
    %dma_start3A_7 = tpu.memref_slice %arg3[%mul3A_2] : memref<1024xi32, #tpu.memory_space<hbm>> -> memref<32xi32, #tpu.memory_space<hbm>>
    %dma_start3A_8 = tpu.memref_slice %arg3[%mul3A_2] : memref<1024xi32, #tpu.memory_space<hbm>> -> memref<32xi32, #tpu.memory_space<hbm>>
    tpu.enqueue_dma source(%dma_start3A_8 : memref<32xi32, #tpu.memory_space<hbm>>) target(%arg11 : memref<32xi32, #tpu.memory_space<vmem>>) target_semaphore(%arg35 : memref<!tpu.dma_semaphore, #tpu.memory_space<semaphore_mem>>)
    %dma_start3A_9 = tpu.memref_slice %arg4[%mul3A_2] : memref<1024xi32, #tpu.memory_space<hbm>> -> memref<32xi32, #tpu.memory_space<hbm>>
    %dma_start3A_10 = tpu.memref_slice %arg4[%mul3A_2] : memref<1024xi32, #tpu.memory_space<hbm>> -> memref<32xi32, #tpu.memory_space<hbm>>
    tpu.enqueue_dma source(%dma_start3A_10 : memref<32xi32, #tpu.memory_space<hbm>>) target(%arg12 : memref<32xi32, #tpu.memory_space<vmem>>) target_semaphore(%arg35 : memref<!tpu.dma_semaphore, #tpu.memory_space<semaphore_mem>>)
    %dma_start3A_11 = tpu.memref_slice %arg8[%min3A_5] : memref<100000xf32, #tpu.memory_space<hbm>> -> memref<3136xf32, #tpu.memory_space<hbm>>
    %dma_start3A_12 = tpu.memref_slice %arg8[%min3A_5] : memref<100000xf32, #tpu.memory_space<hbm>> -> memref<3136xf32, #tpu.memory_space<hbm>>
    tpu.enqueue_dma source(%dma_start3A_12 : memref<3136xf32, #tpu.memory_space<hbm>>) target(%arg25 : memref<3136xf32, #tpu.memory_space<vmem>>) target_semaphore(%arg35 : memref<!tpu.dma_semaphore, #tpu.memory_space<semaphore_mem>>)
    %add3A_13 = arith.constant 3136 : i32
    %add3A_14 = arith.addi %min3A_5, %add3A_13 : i32
    %dma_start3A_15 = tpu.memref_slice %arg8[%add3A_14] : memref<100000xf32, #tpu.memory_space<hbm>> -> memref<3120xf32, #tpu.memory_space<hbm>>
    %dma_start3A_16 = tpu.memref_slice %arg8[%add3A_14] : memref<100000xf32, #tpu.memory_space<hbm>> -> memref<3120xf32, #tpu.memory_space<hbm>>
    tpu.enqueue_dma source(%dma_start3A_16 : memref<3120xf32, #tpu.memory_space<hbm>>) target(%arg26 : memref<3120xf32, #tpu.memory_space<vmem>>) target_semaphore(%arg35 : memref<!tpu.dma_semaphore, #tpu.memory_space<semaphore_mem>>)
    %dma_wait3A = tpu.memref_slice %arg2[%mul3A_2] : memref<1024xi32, #tpu.memory_space<hbm>> -> memref<32xi32, #tpu.memory_space<hbm>>
    %dma_wait3A_17 = tpu.memref_slice %arg2[%mul3A_2] : memref<1024xi32, #tpu.memory_space<hbm>> -> memref<32xi32, #tpu.memory_space<hbm>>
    tpu.wait_dma2 semaphore(%arg35 : memref<!tpu.dma_semaphore, #tpu.memory_space<semaphore_mem>>) src(%dma_wait3A_17 : memref<32xi32, #tpu.memory_space<hbm>>) dst(%arg10 : memref<32xi32, #tpu.memory_space<vmem>>)
    %dma_wait3A_18 = tpu.memref_slice %arg3[%mul3A_2] : memref<1024xi32, #tpu.memory_space<hbm>> -> memref<32xi32, #tpu.memory_space<hbm>>
    %dma_wait3A_19 = tpu.memref_slice %arg3[%mul3A_2] : memref<1024xi32, #tpu.memory_space<hbm>> -> memref<32xi32, #tpu.memory_space<hbm>>
    tpu.wait_dma2 semaphore(%arg35 : memref<!tpu.dma_semaphore, #tpu.memory_space<semaphore_mem>>) src(%dma_wait3A_19 : memref<32xi32, #tpu.memory_space<hbm>>) dst(%arg11 : memref<32xi32, #tpu.memory_space<vmem>>)
    %dma_wait3A_20 = tpu.memref_slice %arg4[%mul3A_2] : memref<1024xi32, #tpu.memory_space<hbm>> -> memref<32xi32, #tpu.memory_space<hbm>>
    %dma_wait3A_21 = tpu.memref_slice %arg4[%mul3A_2] : memref<1024xi32, #tpu.memory_space<hbm>> -> memref<32xi32, #tpu.memory_space<hbm>>
    tpu.wait_dma2 semaphore(%arg35 : memref<!tpu.dma_semaphore, #tpu.memory_space<semaphore_mem>>) src(%dma_wait3A_21 : memref<32xi32, #tpu.memory_space<hbm>>) dst(%arg12 : memref<32xi32, #tpu.memory_space<vmem>>)
    %dma_start3A_22 = arith.constant 0 : i32
    %dma_start3A_23 = tpu.memref_slice %arg8[%dma_start3A_22] : memref<100000xf32, #tpu.memory_space<hbm>> -> memref<100000xf32, #tpu.memory_space<hbm>>
    tpu.enqueue_indirect_dma source(%dma_start3A_23 : memref<100000xf32, #tpu.memory_space<hbm>>) target(%arg13 : memref<32xf32, #tpu.memory_space<vmem>>) offsets(%arg10 : memref<32xi32, #tpu.memory_space<vmem>>) semaphore(%arg34 : memref<!tpu.dma_semaphore, #tpu.memory_space<semaphore_mem>>)
    %dma_start3A_24 = arith.constant 0 : i32
    %dma_start3A_25 = tpu.memref_slice %arg8[%dma_start3A_24] : memref<100000xf32, #tpu.memory_space<hbm>> -> memref<100000xf32, #tpu.memory_space<hbm>>
    tpu.enqueue_indirect_dma source(%dma_start3A_25 : memref<100000xf32, #tpu.memory_space<hbm>>) target(%arg14 : memref<32xf32, #tpu.memory_space<vmem>>) offsets(%arg12 : memref<32xi32, #tpu.memory_space<vmem>>) semaphore(%arg34 : memref<!tpu.dma_semaphore, #tpu.memory_space<semaphore_mem>>)
    %dma_start3A_26 = arith.constant 0 : i32
    %dma_start3A_27 = tpu.memref_slice %arg10[%dma_start3A_26] : memref<32xi32, #tpu.memory_space<vmem>> -> memref<16xi32, #tpu.memory_space<vmem>>
    %dma_start3A_28 = arith.constant 0 : i32
    %dma_start3A_29 = arith.constant 0 : i32
    %dma_start3A_30 = tpu.memref_slice %arg5[%dma_start3A_28, %dma_start3A_29] : memref<100000x768xf32, #tpu.memory_space<hbm>> -> memref<100000x768xf32, #tpu.memory_space<hbm>>
    tpu.enqueue_indirect_dma source(%dma_start3A_30 : memref<100000x768xf32, #tpu.memory_space<hbm>>) target(%arg15 : memref<16x768xf32, #tpu.memory_space<vmem>>) offsets(%dma_start3A_27 : memref<16xi32, #tpu.memory_space<vmem>>) semaphore(%arg32 : memref<!tpu.dma_semaphore, #tpu.memory_space<semaphore_mem>>)
    %dma_start3A_31 = arith.constant 0 : i32
    %dma_start3A_32 = tpu.memref_slice %arg10[%dma_start3A_31] : memref<32xi32, #tpu.memory_space<vmem>> -> memref<16xi32, #tpu.memory_space<vmem>>
    %dma_start3A_33 = arith.constant 0 : i32
    %dma_start3A_34 = arith.constant 0 : i32
    %dma_start3A_35 = tpu.memref_slice %arg6[%dma_start3A_33, %dma_start3A_34] : memref<100000x768xf32, #tpu.memory_space<hbm>> -> memref<100000x768xf32, #tpu.memory_space<hbm>>
    tpu.enqueue_indirect_dma source(%dma_start3A_35 : memref<100000x768xf32, #tpu.memory_space<hbm>>) target(%arg16 : memref<16x768xf32, #tpu.memory_space<vmem>>) offsets(%dma_start3A_32 : memref<16xi32, #tpu.memory_space<vmem>>) semaphore(%arg32 : memref<!tpu.dma_semaphore, #tpu.memory_space<semaphore_mem>>)
    %dma_start3A_36 = arith.constant 0 : i32
    %dma_start3A_37 = tpu.memref_slice %arg12[%dma_start3A_36] : memref<32xi32, #tpu.memory_space<vmem>> -> memref<16xi32, #tpu.memory_space<vmem>>
    %dma_start3A_38 = arith.constant 0 : i32
    %dma_start3A_39 = arith.constant 0 : i32
    %dma_start3A_40 = tpu.memref_slice %arg5[%dma_start3A_38, %dma_start3A_39] : memref<100000x768xf32, #tpu.memory_space<hbm>> -> memref<100000x768xf32, #tpu.memory_space<hbm>>
    tpu.enqueue_indirect_dma source(%dma_start3A_40 : memref<100000x768xf32, #tpu.memory_space<hbm>>) target(%arg17 : memref<16x768xf32, #tpu.memory_space<vmem>>) offsets(%dma_start3A_37 : memref<16xi32, #tpu.memory_space<vmem>>) semaphore(%arg32 : memref<!tpu.dma_semaphore, #tpu.memory_space<semaphore_mem>>)
    %dma_start3A_41 = arith.constant 0 : i32
    %dma_start3A_42 = tpu.memref_slice %arg12[%dma_start3A_41] : memref<32xi32, #tpu.memory_space<vmem>> -> memref<16xi32, #tpu.memory_space<vmem>>
    %dma_start3A_43 = arith.constant 0 : i32
    %dma_start3A_44 = arith.constant 0 : i32
    %dma_start3A_45 = tpu.memref_slice %arg6[%dma_start3A_43, %dma_start3A_44] : memref<100000x768xf32, #tpu.memory_space<hbm>> -> memref<100000x768xf32, #tpu.memory_space<hbm>>
    tpu.enqueue_indirect_dma source(%dma_start3A_45 : memref<100000x768xf32, #tpu.memory_space<hbm>>) target(%arg18 : memref<16x768xf32, #tpu.memory_space<vmem>>) offsets(%dma_start3A_42 : memref<16xi32, #tpu.memory_space<vmem>>) semaphore(%arg32 : memref<!tpu.dma_semaphore, #tpu.memory_space<semaphore_mem>>)
    %dma_start3A_46 = arith.constant 0 : i32
    %dma_start3A_47 = tpu.memref_slice %arg11[%dma_start3A_46] : memref<32xi32, #tpu.memory_space<vmem>> -> memref<16xi32, #tpu.memory_space<vmem>>
    %dma_start3A_48 = arith.constant 0 : i32
    %dma_start3A_49 = arith.constant 0 : i32
    %dma_start3A_50 = tpu.memref_slice %arg7[%dma_start3A_48, %dma_start3A_49] : memref<1000x768xf32, #tpu.memory_space<hbm>> -> memref<1000x768xf32, #tpu.memory_space<hbm>>
    tpu.enqueue_indirect_dma source(%dma_start3A_50 : memref<1000x768xf32, #tpu.memory_space<hbm>>) target(%arg19 : memref<16x768xf32, #tpu.memory_space<vmem>>) offsets(%dma_start3A_47 : memref<16xi32, #tpu.memory_space<vmem>>) semaphore(%arg32 : memref<!tpu.dma_semaphore, #tpu.memory_space<semaphore_mem>>)
    %dma_start3A_51 = arith.constant 16 : i32
    %dma_start3A_52 = tpu.memref_slice %arg10[%dma_start3A_51] : memref<32xi32, #tpu.memory_space<vmem>> -> memref<16xi32, #tpu.memory_space<vmem>>
    %dma_start3A_53 = arith.constant 0 : i32
    %dma_start3A_54 = arith.constant 0 : i32
    %dma_start3A_55 = tpu.memref_slice %arg5[%dma_start3A_53, %dma_start3A_54] : memref<100000x768xf32, #tpu.memory_space<hbm>> -> memref<100000x768xf32, #tpu.memory_space<hbm>>
    tpu.enqueue_indirect_dma source(%dma_start3A_55 : memref<100000x768xf32, #tpu.memory_space<hbm>>) target(%arg20 : memref<16x768xf32, #tpu.memory_space<vmem>>) offsets(%dma_start3A_52 : memref<16xi32, #tpu.memory_space<vmem>>) semaphore(%arg33 : memref<!tpu.dma_semaphore, #tpu.memory_space<semaphore_mem>>)
    %dma_start3A_56 = arith.constant 16 : i32
    %dma_start3A_57 = tpu.memref_slice %arg10[%dma_start3A_56] : memref<32xi32, #tpu.memory_space<vmem>> -> memref<16xi32, #tpu.memory_space<vmem>>
    %dma_start3A_58 = arith.constant 0 : i32
    %dma_start3A_59 = arith.constant 0 : i32
    %dma_start3A_60 = tpu.memref_slice %arg6[%dma_start3A_58, %dma_start3A_59] : memref<100000x768xf32, #tpu.memory_space<hbm>> -> memref<100000x768xf32, #tpu.memory_space<hbm>>
    tpu.enqueue_indirect_dma source(%dma_start3A_60 : memref<100000x768xf32, #tpu.memory_space<hbm>>) target(%arg21 : memref<16x768xf32, #tpu.memory_space<vmem>>) offsets(%dma_start3A_57 : memref<16xi32, #tpu.memory_space<vmem>>) semaphore(%arg33 : memref<!tpu.dma_semaphore, #tpu.memory_space<semaphore_mem>>)
    %dma_start3A_61 = arith.constant 16 : i32
    %dma_start3A_62 = tpu.memref_slice %arg12[%dma_start3A_61] : memref<32xi32, #tpu.memory_space<vmem>> -> memref<16xi32, #tpu.memory_space<vmem>>
    %dma_start3A_63 = arith.constant 0 : i32
    %dma_start3A_64 = arith.constant 0 : i32
    %dma_start3A_65 = tpu.memref_slice %arg5[%dma_start3A_63, %dma_start3A_64] : memref<100000x768xf32, #tpu.memory_space<hbm>> -> memref<100000x768xf32, #tpu.memory_space<hbm>>
    tpu.enqueue_indirect_dma source(%dma_start3A_65 : memref<100000x768xf32, #tpu.memory_space<hbm>>) target(%arg22 : memref<16x768xf32, #tpu.memory_space<vmem>>) offsets(%dma_start3A_62 : memref<16xi32, #tpu.memory_space<vmem>>) semaphore(%arg33 : memref<!tpu.dma_semaphore, #tpu.memory_space<semaphore_mem>>)
    %dma_start3A_66 = arith.constant 16 : i32
    %dma_start3A_67 = tpu.memref_slice %arg12[%dma_start3A_66] : memref<32xi32, #tpu.memory_space<vmem>> -> memref<16xi32, #tpu.memory_space<vmem>>
    %dma_start3A_68 = arith.constant 0 : i32
    %dma_start3A_69 = arith.constant 0 : i32
    %dma_start3A_70 = tpu.memref_slice %arg6[%dma_start3A_68, %dma_start3A_69] : memref<100000x768xf32, #tpu.memory_space<hbm>> -> memref<100000x768xf32, #tpu.memory_space<hbm>>
    tpu.enqueue_indirect_dma source(%dma_start3A_70 : memref<100000x768xf32, #tpu.memory_space<hbm>>) target(%arg23 : memref<16x768xf32, #tpu.memory_space<vmem>>) offsets(%dma_start3A_67 : memref<16xi32, #tpu.memory_space<vmem>>) semaphore(%arg33 : memref<!tpu.dma_semaphore, #tpu.memory_space<semaphore_mem>>)
    %dma_start3A_71 = arith.constant 16 : i32
    %dma_start3A_72 = tpu.memref_slice %arg11[%dma_start3A_71] : memref<32xi32, #tpu.memory_space<vmem>> -> memref<16xi32, #tpu.memory_space<vmem>>
    %dma_start3A_73 = arith.constant 0 : i32
    %dma_start3A_74 = arith.constant 0 : i32
    %dma_start3A_75 = tpu.memref_slice %arg7[%dma_start3A_73, %dma_start3A_74] : memref<1000x768xf32, #tpu.memory_space<hbm>> -> memref<1000x768xf32, #tpu.memory_space<hbm>>
    tpu.enqueue_indirect_dma source(%dma_start3A_75 : memref<1000x768xf32, #tpu.memory_space<hbm>>) target(%arg24 : memref<16x768xf32, #tpu.memory_space<vmem>>) offsets(%dma_start3A_72 : memref<16xi32, #tpu.memory_space<vmem>>) semaphore(%arg33 : memref<!tpu.dma_semaphore, #tpu.memory_space<semaphore_mem>>)
    %dma_wait3A_76 = tpu.memref_slice %arg8[%min3A_5] : memref<100000xf32, #tpu.memory_space<hbm>> -> memref<3136xf32, #tpu.memory_space<hbm>>
    %dma_wait3A_77 = tpu.memref_slice %arg8[%min3A_5] : memref<100000xf32, #tpu.memory_space<hbm>> -> memref<3136xf32, #tpu.memory_space<hbm>>
    tpu.wait_dma2 semaphore(%arg35 : memref<!tpu.dma_semaphore, #tpu.memory_space<semaphore_mem>>) src(%dma_wait3A_77 : memref<3136xf32, #tpu.memory_space<hbm>>) dst(%arg25 : memref<3136xf32, #tpu.memory_space<vmem>>)
    %dma_wait3A_78 = tpu.memref_slice %arg8[%add3A_14] : memref<100000xf32, #tpu.memory_space<hbm>> -> memref<3120xf32, #tpu.memory_space<hbm>>
    %dma_wait3A_79 = tpu.memref_slice %arg8[%add3A_14] : memref<100000xf32, #tpu.memory_space<hbm>> -> memref<3120xf32, #tpu.memory_space<hbm>>
    tpu.wait_dma2 semaphore(%arg35 : memref<!tpu.dma_semaphore, #tpu.memory_space<semaphore_mem>>) src(%dma_wait3A_79 : memref<3120xf32, #tpu.memory_space<hbm>>) dst(%arg26 : memref<3120xf32, #tpu.memory_space<vmem>>)
    %get3A = arith.constant 0 : index
    %get3A_80 = tpu.vector_load %arg25[%get3A] {strides = array<i32>} : memref<3136xf32, #tpu.memory_space<vmem>>, vector<16xf32>,
    %scan3A = arith.constant 0 : i32
    %scan3A_81 = arith.constant 196 : i32
    %scan3A_82 = arith.addi %scan3A, %scan3A_81 : i32
    %scan3A_83 = arith.constant 2 : i32
    %scan3A_84:2 = scf.for %scan3A_442 = %scan3A to %scan3A_82 step %scan3A_83 iter_args(%scan3A_443 = %get3A_80, %scan3A_444 = %get3A_80) -> (vector<16xf32>, vector<16xf32>)  : i32 {
      %mul3A_445 = arith.constant 16 : i32
      %mul3A_446 = arith.muli %scan3A_442, %mul3A_445 : i32
      %get3A_447 = arith.index_cast %mul3A_446 : i32 to index
      %get3A_448 = tpu.vector_load %arg25[%get3A_447] {strides = array<i32>} : memref<3136xf32, #tpu.memory_space<vmem>>, vector<16xf32>,
      %min3A_449 = arith.minimumf %scan3A_443, %get3A_448 : vector<16xf32>
      %max3A_450 = arith.maximumf %scan3A_444, %get3A_448 : vector<16xf32>
      %scan3A_451 = arith.constant 1 : i32
      %scan3A_452 = arith.addi %scan3A_442, %scan3A_451 : i32
      %mul3A_453 = arith.constant 16 : i32
      %mul3A_454 = arith.muli %scan3A_452, %mul3A_453 : i32
      %get3A_455 = arith.index_cast %mul3A_454 : i32 to index
      %get3A_456 = tpu.vector_load %arg25[%get3A_455] {strides = array<i32>} : memref<3136xf32, #tpu.memory_space<vmem>>, vector<16xf32>,
      %min3A_457 = arith.minimumf %min3A_449, %get3A_456 : vector<16xf32>
      %max3A_458 = arith.maximumf %max3A_450, %get3A_456 : vector<16xf32>
      scf.yield %min3A_457, %max3A_458 : vector<16xf32>, vector<16xf32>
    }
    %scan3A_85 = arith.constant 196 : i32
    %scan3A_86 = arith.constant 0 : i32
    %scan3A_87 = arith.constant 194 : i32
    %scan3A_88 = arith.addi %scan3A_86, %scan3A_87 : i32
    %scan3A_89 = arith.constant 2 : i32
    %scan3A_90:2 = scf.for %scan3A_442 = %scan3A_86 to %scan3A_88 step %scan3A_89 iter_args(%scan3A_443 = %scan3A_84#0, %scan3A_444 = %scan3A_84#1) -> (vector<16xf32>, vector<16xf32>)  : i32 {
      %mul3A_445 = arith.constant 16 : i32
      %mul3A_446 = arith.muli %scan3A_442, %mul3A_445 : i32
      %get3A_447 = arith.index_cast %mul3A_446 : i32 to index
      %get3A_448 = tpu.vector_load %arg26[%get3A_447] {strides = array<i32>} : memref<3120xf32, #tpu.memory_space<vmem>>, vector<16xf32>,
      %min3A_449 = arith.minimumf %scan3A_443, %get3A_448 : vector<16xf32>
      %max3A_450 = arith.maximumf %scan3A_444, %get3A_448 : vector<16xf32>
      %scan3A_451 = arith.constant 1 : i32
      %scan3A_452 = arith.addi %scan3A_442, %scan3A_451 : i32
      %mul3A_453 = arith.constant 16 : i32
      %mul3A_454 = arith.muli %scan3A_452, %mul3A_453 : i32
      %get3A_455 = arith.index_cast %mul3A_454 : i32 to index
      %get3A_456 = tpu.vector_load %arg26[%get3A_455] {strides = array<i32>} : memref<3120xf32, #tpu.memory_space<vmem>>, vector<16xf32>,
      %min3A_457 = arith.minimumf %min3A_449, %get3A_456 : vector<16xf32>
      %max3A_458 = arith.maximumf %max3A_450, %get3A_456 : vector<16xf32>
      scf.yield %min3A_457, %max3A_458 : vector<16xf32>, vector<16xf32>
    }
    %scan3A_91 = arith.constant 194 : i32
    %scan3A_92 = arith.addi %scan3A_86, %scan3A_91 : i32
    %mul3A_93 = arith.constant 16 : i32
    %mul3A_94 = arith.muli %scan3A_92, %mul3A_93 : i32
    %get3A_95 = arith.index_cast %mul3A_94 : i32 to index
    %get3A_96 = tpu.vector_load %arg26[%get3A_95] {strides = array<i32>} : memref<3120xf32, #tpu.memory_space<vmem>>, vector<16xf32>,
    %min3A_97 = arith.minimumf %scan3A_90#0, %get3A_96 : vector<16xf32>
    %max3A = arith.maximumf %scan3A_90#1, %get3A_96 : vector<16xf32>
    %scan3A_98 = arith.constant 195 : i32
    %swap3A = arith.constant 0 : index
    %swap3A_99 = tpu.vector_load %arg27[%swap3A] {strides = array<i32>} : memref<32xf32, #tpu.memory_space<vmem>>, vector<16xf32>,
    tpu.vector_store %arg27[%swap3A], %min3A_97 {strides = array<i32>} : memref<32xf32, #tpu.memory_space<vmem>>, vector<16xf32>,
    %swap3A_100 = arith.constant 16 : index
    %swap3A_101 = tpu.vector_load %arg27[%swap3A_100] {strides = array<i32>} : memref<32xf32, #tpu.memory_space<vmem>>, vector<16xf32>,
    tpu.vector_store %arg27[%swap3A_100], %max3A {strides = array<i32>} : memref<32xf32, #tpu.memory_space<vmem>>, vector<16xf32>,
    %mul3A_102 = arith.constant 2 : i32
    %mul3A_103 = arith.muli %arg1, %mul3A_102 : i32
    %mul3A_104 = arith.constant 16 : i32
    %mul3A_105 = arith.muli %mul3A_103, %mul3A_104 : i32
    "tpu.region"() ({
      %run_scoped3A = tpu.sem_alloc : memref<!tpu.dma_semaphore, #tpu.memory_space<semaphore_mem>>
      %dma_start3A_442 = tpu.memref_slice %arg29[%mul3A_105] : memref<512xf32, #tpu.memory_space<vmem_shared>> -> memref<32xf32, #tpu.memory_space<vmem_shared>>
      %dma_start3A_443 = tpu.memref_slice %arg29[%mul3A_105] : memref<512xf32, #tpu.memory_space<vmem_shared>> -> memref<32xf32, #tpu.memory_space<vmem_shared>>
      tpu.enqueue_dma source(%arg27 : memref<32xf32, #tpu.memory_space<vmem>>) target(%dma_start3A_443 : memref<32xf32, #tpu.memory_space<vmem_shared>>) target_semaphore(%run_scoped3A : memref<!tpu.dma_semaphore, #tpu.memory_space<semaphore_mem>>)
      %dma_wait3A_444 = tpu.memref_slice %arg29[%mul3A_105] : memref<512xf32, #tpu.memory_space<vmem_shared>> -> memref<32xf32, #tpu.memory_space<vmem_shared>>
      %dma_wait3A_445 = tpu.memref_slice %arg29[%mul3A_105] : memref<512xf32, #tpu.memory_space<vmem_shared>> -> memref<32xf32, #tpu.memory_space<vmem_shared>>
      tpu.wait_dma2 semaphore(%run_scoped3A : memref<!tpu.dma_semaphore, #tpu.memory_space<semaphore_mem>>) src(%arg27 : memref<32xf32, #tpu.memory_space<vmem>>) dst(%dma_wait3A_445 : memref<32xf32, #tpu.memory_space<vmem_shared>>)
      tpu.yield
    }) : () -> ()
    %barrier3A = arith.constant 0 : index
    tpu.barrier barrier_id(%barrier3A)
    "tpu.region"() ({
      %run_scoped3A = tpu.sem_alloc : memref<!tpu.dma_semaphore, #tpu.memory_space<semaphore_mem>>
      tpu.enqueue_dma source(%arg29 : memref<512xf32, #tpu.memory_space<vmem_shared>>) target(%arg28 : memref<512xf32, #tpu.memory_space<vmem>>) target_semaphore(%run_scoped3A : memref<!tpu.dma_semaphore, #tpu.memory_space<semaphore_mem>>)
      tpu.wait_dma2 semaphore(%run_scoped3A : memref<!tpu.dma_semaphore, #tpu.memory_space<semaphore_mem>>) src(%arg29 : memref<512xf32, #tpu.memory_space<vmem_shared>>) dst(%arg28 : memref<512xf32, #tpu.memory_space<vmem>>)
      tpu.yield
    }) : () -> ()
    %get3A_106 = arith.constant 0 : index
    %get3A_107 = tpu.vector_load %arg28[%get3A_106] {strides = array<i32>} : memref<512xf32, #tpu.memory_space<vmem>>, vector<16xf32>,
    %min3A_108 = arith.minimumf %min3A_97, %get3A_107 : vector<16xf32>
    %get3A_109 = arith.constant 16 : index
    %get3A_110 = tpu.vector_load %arg28[%get3A_109] {strides = array<i32>} : memref<512xf32, #tpu.memory_space<vmem>>, vector<16xf32>,
    %max3A_111 = arith.maximumf %max3A, %get3A_110 : vector<16xf32>
    %get3A_112 = arith.constant 32 : index
    %get3A_113 = tpu.vector_load %arg28[%get3A_112] {strides = array<i32>} : memref<512xf32, #tpu.memory_space<vmem>>, vector<16xf32>,
    %min3A_114 = arith.minimumf %min3A_108, %get3A_113 : vector<16xf32>
    %get3A_115 = arith.constant 48 : index
    %get3A_116 = tpu.vector_load %arg28[%get3A_115] {strides = array<i32>} : memref<512xf32, #tpu.memory_space<vmem>>, vector<16xf32>,
    %max3A_117 = arith.maximumf %max3A_111, %get3A_116 : vector<16xf32>
    %get3A_118 = arith.constant 64 : index
    %get3A_119 = tpu.vector_load %arg28[%get3A_118] {strides = array<i32>} : memref<512xf32, #tpu.memory_space<vmem>>, vector<16xf32>,
    %min3A_120 = arith.minimumf %min3A_114, %get3A_119 : vector<16xf32>
    %get3A_121 = arith.constant 80 : index
    %get3A_122 = tpu.vector_load %arg28[%get3A_121] {strides = array<i32>} : memref<512xf32, #tpu.memory_space<vmem>>, vector<16xf32>,
    %max3A_123 = arith.maximumf %max3A_117, %get3A_122 : vector<16xf32>
    %get3A_124 = arith.constant 96 : index
    %get3A_125 = tpu.vector_load %arg28[%get3A_124] {strides = array<i32>} : memref<512xf32, #tpu.memory_space<vmem>>, vector<16xf32>,
    %min3A_126 = arith.minimumf %min3A_120, %get3A_125 : vector<16xf32>
    %get3A_127 = arith.constant 112 : index
    %get3A_128 = tpu.vector_load %arg28[%get3A_127] {strides = array<i32>} : memref<512xf32, #tpu.memory_space<vmem>>, vector<16xf32>,
    %max3A_129 = arith.maximumf %max3A_123, %get3A_128 : vector<16xf32>
    %get3A_130 = arith.constant 128 : index
    %get3A_131 = tpu.vector_load %arg28[%get3A_130] {strides = array<i32>} : memref<512xf32, #tpu.memory_space<vmem>>, vector<16xf32>,
    %min3A_132 = arith.minimumf %min3A_126, %get3A_131 : vector<16xf32>
    %get3A_133 = arith.constant 144 : index
    %get3A_134 = tpu.vector_load %arg28[%get3A_133] {strides = array<i32>} : memref<512xf32, #tpu.memory_space<vmem>>, vector<16xf32>,
    %max3A_135 = arith.maximumf %max3A_129, %get3A_134 : vector<16xf32>
    %get3A_136 = arith.constant 160 : index
    %get3A_137 = tpu.vector_load %arg28[%get3A_136] {strides = array<i32>} : memref<512xf32, #tpu.memory_space<vmem>>, vector<16xf32>,
    %min3A_138 = arith.minimumf %min3A_132, %get3A_137 : vector<16xf32>
    %get3A_139 = arith.constant 176 : index
    %get3A_140 = tpu.vector_load %arg28[%get3A_139] {strides = array<i32>} : memref<512xf32, #tpu.memory_space<vmem>>, vector<16xf32>,
    %max3A_141 = arith.maximumf %max3A_135, %get3A_140 : vector<16xf32>
    %get3A_142 = arith.constant 192 : index
    %get3A_143 = tpu.vector_load %arg28[%get3A_142] {strides = array<i32>} : memref<512xf32, #tpu.memory_space<vmem>>, vector<16xf32>,
    %min3A_144 = arith.minimumf %min3A_138, %get3A_143 : vector<16xf32>
    %get3A_145 = arith.constant 208 : index
    %get3A_146 = tpu.vector_load %arg28[%get3A_145] {strides = array<i32>} : memref<512xf32, #tpu.memory_space<vmem>>, vector<16xf32>,
    %max3A_147 = arith.maximumf %max3A_141, %get3A_146 : vector<16xf32>
    %get3A_148 = arith.constant 224 : index
    %get3A_149 = tpu.vector_load %arg28[%get3A_148] {strides = array<i32>} : memref<512xf32, #tpu.memory_space<vmem>>, vector<16xf32>,
    %min3A_150 = arith.minimumf %min3A_144, %get3A_149 : vector<16xf32>
    %get3A_151 = arith.constant 240 : index
    %get3A_152 = tpu.vector_load %arg28[%get3A_151] {strides = array<i32>} : memref<512xf32, #tpu.memory_space<vmem>>, vector<16xf32>,
    %max3A_153 = arith.maximumf %max3A_147, %get3A_152 : vector<16xf32>
    %get3A_154 = arith.constant 256 : index
    %get3A_155 = tpu.vector_load %arg28[%get3A_154] {strides = array<i32>} : memref<512xf32, #tpu.memory_space<vmem>>, vector<16xf32>,
    %min3A_156 = arith.minimumf %min3A_150, %get3A_155 : vector<16xf32>
    %get3A_157 = arith.constant 272 : index
    %get3A_158 = tpu.vector_load %arg28[%get3A_157] {strides = array<i32>} : memref<512xf32, #tpu.memory_space<vmem>>, vector<16xf32>,
    %max3A_159 = arith.maximumf %max3A_153, %get3A_158 : vector<16xf32>
    %get3A_160 = arith.constant 288 : index
    %get3A_161 = tpu.vector_load %arg28[%get3A_160] {strides = array<i32>} : memref<512xf32, #tpu.memory_space<vmem>>, vector<16xf32>,
    %min3A_162 = arith.minimumf %min3A_156, %get3A_161 : vector<16xf32>
    %get3A_163 = arith.constant 304 : index
    %get3A_164 = tpu.vector_load %arg28[%get3A_163] {strides = array<i32>} : memref<512xf32, #tpu.memory_space<vmem>>, vector<16xf32>,
    %max3A_165 = arith.maximumf %max3A_159, %get3A_164 : vector<16xf32>
    %get3A_166 = arith.constant 320 : index
    %get3A_167 = tpu.vector_load %arg28[%get3A_166] {strides = array<i32>} : memref<512xf32, #tpu.memory_space<vmem>>, vector<16xf32>,
    %min3A_168 = arith.minimumf %min3A_162, %get3A_167 : vector<16xf32>
    %get3A_169 = arith.constant 336 : index
    %get3A_170 = tpu.vector_load %arg28[%get3A_169] {strides = array<i32>} : memref<512xf32, #tpu.memory_space<vmem>>, vector<16xf32>,
    %max3A_171 = arith.maximumf %max3A_165, %get3A_170 : vector<16xf32>
    %get3A_172 = arith.constant 352 : index
    %get3A_173 = tpu.vector_load %arg28[%get3A_172] {strides = array<i32>} : memref<512xf32, #tpu.memory_space<vmem>>, vector<16xf32>,
    %min3A_174 = arith.minimumf %min3A_168, %get3A_173 : vector<16xf32>
    %get3A_175 = arith.constant 368 : index
    %get3A_176 = tpu.vector_load %arg28[%get3A_175] {strides = array<i32>} : memref<512xf32, #tpu.memory_space<vmem>>, vector<16xf32>,
    %max3A_177 = arith.maximumf %max3A_171, %get3A_176 : vector<16xf32>
    %get3A_178 = arith.constant 384 : index
    %get3A_179 = tpu.vector_load %arg28[%get3A_178] {strides = array<i32>} : memref<512xf32, #tpu.memory_space<vmem>>, vector<16xf32>,
    %min3A_180 = arith.minimumf %min3A_174, %get3A_179 : vector<16xf32>
    %get3A_181 = arith.constant 400 : index
    %get3A_182 = tpu.vector_load %arg28[%get3A_181] {strides = array<i32>} : memref<512xf32, #tpu.memory_space<vmem>>, vector<16xf32>,
    %max3A_183 = arith.maximumf %max3A_177, %get3A_182 : vector<16xf32>
    %get3A_184 = arith.constant 416 : index
    %get3A_185 = tpu.vector_load %arg28[%get3A_184] {strides = array<i32>} : memref<512xf32, #tpu.memory_space<vmem>>, vector<16xf32>,
    %min3A_186 = arith.minimumf %min3A_180, %get3A_185 : vector<16xf32>
    %get3A_187 = arith.constant 432 : index
    %get3A_188 = tpu.vector_load %arg28[%get3A_187] {strides = array<i32>} : memref<512xf32, #tpu.memory_space<vmem>>, vector<16xf32>,
    %max3A_189 = arith.maximumf %max3A_183, %get3A_188 : vector<16xf32>
    %get3A_190 = arith.constant 448 : index
    %get3A_191 = tpu.vector_load %arg28[%get3A_190] {strides = array<i32>} : memref<512xf32, #tpu.memory_space<vmem>>, vector<16xf32>,
    %min3A_192 = arith.minimumf %min3A_186, %get3A_191 : vector<16xf32>
    %get3A_193 = arith.constant 464 : index
    %get3A_194 = tpu.vector_load %arg28[%get3A_193] {strides = array<i32>} : memref<512xf32, #tpu.memory_space<vmem>>, vector<16xf32>,
    %max3A_195 = arith.maximumf %max3A_189, %get3A_194 : vector<16xf32>
    %get3A_196 = arith.constant 480 : index
    %get3A_197 = tpu.vector_load %arg28[%get3A_196] {strides = array<i32>} : memref<512xf32, #tpu.memory_space<vmem>>, vector<16xf32>,
    %min3A_198 = arith.minimumf %min3A_192, %get3A_197 : vector<16xf32>
    %get3A_199 = arith.constant 496 : index
    %get3A_200 = tpu.vector_load %arg28[%get3A_199] {strides = array<i32>} : memref<512xf32, #tpu.memory_space<vmem>>, vector<16xf32>,
    %max3A_201 = arith.maximumf %max3A_195, %get3A_200 : vector<16xf32>
    %iota3A_202 = tpu.iota {dimensions = array<i32: 0>} : vector<16xi32>
    %swap3A_203 = arith.constant 0 : index
    %swap3A_204 = tpu.vector_load %arg30[%swap3A_203] {strides = array<i32>} : memref<16xf32, #tpu.memory_space<vmem>>, vector<16xf32>,
    tpu.vector_store %arg30[%swap3A_203], %min3A_198 {strides = array<i32>} : memref<16xf32, #tpu.memory_space<vmem>>, vector<16xf32>,
    %xor3A = arith.constant 1 : i32
    %xor3A_205 = vector.broadcast %xor3A : i32 to vector<16xi32>
    %xor3A_206 = arith.xori %iota3A_202, %xor3A_205 : vector<16xi32>
    %gather3A = tpu.vector_load_idx %arg30[%xor3A_206] : memref<16xf32, #tpu.memory_space<vmem>>[vector<16xi32>], vector<16xf32>,
    %min3A_207 = arith.minimumf %min3A_198, %gather3A : vector<16xf32>
    %swap3A_208 = arith.constant 0 : index
    %swap3A_209 = tpu.vector_load %arg30[%swap3A_208] {strides = array<i32>} : memref<16xf32, #tpu.memory_space<vmem>>, vector<16xf32>,
    tpu.vector_store %arg30[%swap3A_208], %min3A_207 {strides = array<i32>} : memref<16xf32, #tpu.memory_space<vmem>>, vector<16xf32>,
    %xor3A_210 = arith.constant 2 : i32
    %xor3A_211 = vector.broadcast %xor3A_210 : i32 to vector<16xi32>
    %xor3A_212 = arith.xori %iota3A_202, %xor3A_211 : vector<16xi32>
    %gather3A_213 = tpu.vector_load_idx %arg30[%xor3A_212] : memref<16xf32, #tpu.memory_space<vmem>>[vector<16xi32>], vector<16xf32>,
    %min3A_214 = arith.minimumf %min3A_207, %gather3A_213 : vector<16xf32>
    %swap3A_215 = arith.constant 0 : index
    %swap3A_216 = tpu.vector_load %arg30[%swap3A_215] {strides = array<i32>} : memref<16xf32, #tpu.memory_space<vmem>>, vector<16xf32>,
    tpu.vector_store %arg30[%swap3A_215], %min3A_214 {strides = array<i32>} : memref<16xf32, #tpu.memory_space<vmem>>, vector<16xf32>,
    %xor3A_217 = arith.constant 4 : i32
    %xor3A_218 = vector.broadcast %xor3A_217 : i32 to vector<16xi32>
    %xor3A_219 = arith.xori %iota3A_202, %xor3A_218 : vector<16xi32>
    %gather3A_220 = tpu.vector_load_idx %arg30[%xor3A_219] : memref<16xf32, #tpu.memory_space<vmem>>[vector<16xi32>], vector<16xf32>,
    %min3A_221 = arith.minimumf %min3A_214, %gather3A_220 : vector<16xf32>
    %swap3A_222 = arith.constant 0 : index
    %swap3A_223 = tpu.vector_load %arg30[%swap3A_222] {strides = array<i32>} : memref<16xf32, #tpu.memory_space<vmem>>, vector<16xf32>,
    tpu.vector_store %arg30[%swap3A_222], %min3A_221 {strides = array<i32>} : memref<16xf32, #tpu.memory_space<vmem>>, vector<16xf32>,
    %xor3A_224 = arith.constant 8 : i32
    %xor3A_225 = vector.broadcast %xor3A_224 : i32 to vector<16xi32>
    %xor3A_226 = arith.xori %iota3A_202, %xor3A_225 : vector<16xi32>
    %gather3A_227 = tpu.vector_load_idx %arg30[%xor3A_226] : memref<16xf32, #tpu.memory_space<vmem>>[vector<16xi32>], vector<16xf32>,
    %min3A_228 = arith.minimumf %min3A_221, %gather3A_227 : vector<16xf32>
    %iota3A_229 = tpu.iota {dimensions = array<i32: 0>} : vector<16xi32>
    %swap3A_230 = arith.constant 0 : index
    %swap3A_231 = tpu.vector_load %arg30[%swap3A_230] {strides = array<i32>} : memref<16xf32, #tpu.memory_space<vmem>>, vector<16xf32>,
    tpu.vector_store %arg30[%swap3A_230], %max3A_201 {strides = array<i32>} : memref<16xf32, #tpu.memory_space<vmem>>, vector<16xf32>,
    %xor3A_232 = arith.constant 1 : i32
    %xor3A_233 = vector.broadcast %xor3A_232 : i32 to vector<16xi32>
    %xor3A_234 = arith.xori %iota3A_229, %xor3A_233 : vector<16xi32>
    %gather3A_235 = tpu.vector_load_idx %arg30[%xor3A_234] : memref<16xf32, #tpu.memory_space<vmem>>[vector<16xi32>], vector<16xf32>,
    %max3A_236 = arith.maximumf %max3A_201, %gather3A_235 : vector<16xf32>
    %swap3A_237 = arith.constant 0 : index
    %swap3A_238 = tpu.vector_load %arg30[%swap3A_237] {strides = array<i32>} : memref<16xf32, #tpu.memory_space<vmem>>, vector<16xf32>,
    tpu.vector_store %arg30[%swap3A_237], %max3A_236 {strides = array<i32>} : memref<16xf32, #tpu.memory_space<vmem>>, vector<16xf32>,
    %xor3A_239 = arith.constant 2 : i32
    %xor3A_240 = vector.broadcast %xor3A_239 : i32 to vector<16xi32>
    %xor3A_241 = arith.xori %iota3A_229, %xor3A_240 : vector<16xi32>
    %gather3A_242 = tpu.vector_load_idx %arg30[%xor3A_241] : memref<16xf32, #tpu.memory_space<vmem>>[vector<16xi32>], vector<16xf32>,
    %max3A_243 = arith.maximumf %max3A_236, %gather3A_242 : vector<16xf32>
    %swap3A_244 = arith.constant 0 : index
    %swap3A_245 = tpu.vector_load %arg30[%swap3A_244] {strides = array<i32>} : memref<16xf32, #tpu.memory_space<vmem>>, vector<16xf32>,
    tpu.vector_store %arg30[%swap3A_244], %max3A_243 {strides = array<i32>} : memref<16xf32, #tpu.memory_space<vmem>>, vector<16xf32>,
    %xor3A_246 = arith.constant 4 : i32
    %xor3A_247 = vector.broadcast %xor3A_246 : i32 to vector<16xi32>
    %xor3A_248 = arith.xori %iota3A_229, %xor3A_247 : vector<16xi32>
    %gather3A_249 = tpu.vector_load_idx %arg30[%xor3A_248] : memref<16xf32, #tpu.memory_space<vmem>>[vector<16xi32>], vector<16xf32>,
    %max3A_250 = arith.maximumf %max3A_243, %gather3A_249 : vector<16xf32>
    %swap3A_251 = arith.constant 0 : index
    %swap3A_252 = tpu.vector_load %arg30[%swap3A_251] {strides = array<i32>} : memref<16xf32, #tpu.memory_space<vmem>>, vector<16xf32>,
    tpu.vector_store %arg30[%swap3A_251], %max3A_250 {strides = array<i32>} : memref<16xf32, #tpu.memory_space<vmem>>, vector<16xf32>,
    %xor3A_253 = arith.constant 8 : i32
    %xor3A_254 = vector.broadcast %xor3A_253 : i32 to vector<16xi32>
    %xor3A_255 = arith.xori %iota3A_229, %xor3A_254 : vector<16xi32>
    %gather3A_256 = tpu.vector_load_idx %arg30[%xor3A_255] : memref<16xf32, #tpu.memory_space<vmem>>[vector<16xi32>], vector<16xf32>,
    %max3A_257 = arith.maximumf %max3A_250, %gather3A_256 : vector<16xf32>
    %sub3A = arith.subf %max3A_257, %min3A_228 : vector<16xf32>
    %div3A = arith.constant 1.000000e+00 : f32
    %div3A_258 = vector.broadcast %div3A : f32 to vector<16xf32>
    %div3A_259 = arith.divf %div3A_258, %sub3A : vector<16xf32>
    %dma_wait3A_260 = arith.constant 0 : i32
    %dma_wait3A_261 = tpu.memref_slice %arg8[%dma_wait3A_260] : memref<100000xf32, #tpu.memory_space<hbm>> -> memref<100000xf32, #tpu.memory_space<hbm>>
    tpu.wait_indirect_dma semaphore(%arg34 : memref<!tpu.dma_semaphore, #tpu.memory_space<semaphore_mem>>) src(%dma_wait3A_261 : memref<100000xf32, #tpu.memory_space<hbm>>) dst(%arg13 : memref<32xf32, #tpu.memory_space<vmem>>)
    %dma_wait3A_262 = arith.constant 0 : i32
    %dma_wait3A_263 = tpu.memref_slice %arg8[%dma_wait3A_262] : memref<100000xf32, #tpu.memory_space<hbm>> -> memref<100000xf32, #tpu.memory_space<hbm>>
    tpu.wait_indirect_dma semaphore(%arg34 : memref<!tpu.dma_semaphore, #tpu.memory_space<semaphore_mem>>) src(%dma_wait3A_263 : memref<100000xf32, #tpu.memory_space<hbm>>) dst(%arg14 : memref<32xf32, #tpu.memory_space<vmem>>)
    %dma_wait3A_264 = arith.constant 0 : i32
    %dma_wait3A_265 = tpu.memref_slice %arg10[%dma_wait3A_264] : memref<32xi32, #tpu.memory_space<vmem>> -> memref<16xi32, #tpu.memory_space<vmem>>
    %dma_wait3A_266 = arith.constant 0 : i32
    %dma_wait3A_267 = arith.constant 0 : i32
    %dma_wait3A_268 = tpu.memref_slice %arg5[%dma_wait3A_266, %dma_wait3A_267] : memref<100000x768xf32, #tpu.memory_space<hbm>> -> memref<100000x768xf32, #tpu.memory_space<hbm>>
    tpu.wait_indirect_dma semaphore(%arg32 : memref<!tpu.dma_semaphore, #tpu.memory_space<semaphore_mem>>) src(%dma_wait3A_268 : memref<100000x768xf32, #tpu.memory_space<hbm>>) dst(%arg15 : memref<16x768xf32, #tpu.memory_space<vmem>>)
    %dma_wait3A_269 = arith.constant 0 : i32
    %dma_wait3A_270 = tpu.memref_slice %arg10[%dma_wait3A_269] : memref<32xi32, #tpu.memory_space<vmem>> -> memref<16xi32, #tpu.memory_space<vmem>>
    %dma_wait3A_271 = arith.constant 0 : i32
    %dma_wait3A_272 = arith.constant 0 : i32
    %dma_wait3A_273 = tpu.memref_slice %arg6[%dma_wait3A_271, %dma_wait3A_272] : memref<100000x768xf32, #tpu.memory_space<hbm>> -> memref<100000x768xf32, #tpu.memory_space<hbm>>
    tpu.wait_indirect_dma semaphore(%arg32 : memref<!tpu.dma_semaphore, #tpu.memory_space<semaphore_mem>>) src(%dma_wait3A_273 : memref<100000x768xf32, #tpu.memory_space<hbm>>) dst(%arg16 : memref<16x768xf32, #tpu.memory_space<vmem>>)
    %dma_wait3A_274 = arith.constant 0 : i32
    %dma_wait3A_275 = tpu.memref_slice %arg12[%dma_wait3A_274] : memref<32xi32, #tpu.memory_space<vmem>> -> memref<16xi32, #tpu.memory_space<vmem>>
    %dma_wait3A_276 = arith.constant 0 : i32
    %dma_wait3A_277 = arith.constant 0 : i32
    %dma_wait3A_278 = tpu.memref_slice %arg5[%dma_wait3A_276, %dma_wait3A_277] : memref<100000x768xf32, #tpu.memory_space<hbm>> -> memref<100000x768xf32, #tpu.memory_space<hbm>>
    tpu.wait_indirect_dma semaphore(%arg32 : memref<!tpu.dma_semaphore, #tpu.memory_space<semaphore_mem>>) src(%dma_wait3A_278 : memref<100000x768xf32, #tpu.memory_space<hbm>>) dst(%arg17 : memref<16x768xf32, #tpu.memory_space<vmem>>)
    %dma_wait3A_279 = arith.constant 0 : i32
    %dma_wait3A_280 = tpu.memref_slice %arg12[%dma_wait3A_279] : memref<32xi32, #tpu.memory_space<vmem>> -> memref<16xi32, #tpu.memory_space<vmem>>
    %dma_wait3A_281 = arith.constant 0 : i32
    %dma_wait3A_282 = arith.constant 0 : i32
    %dma_wait3A_283 = tpu.memref_slice %arg6[%dma_wait3A_281, %dma_wait3A_282] : memref<100000x768xf32, #tpu.memory_space<hbm>> -> memref<100000x768xf32, #tpu.memory_space<hbm>>
    tpu.wait_indirect_dma semaphore(%arg32 : memref<!tpu.dma_semaphore, #tpu.memory_space<semaphore_mem>>) src(%dma_wait3A_283 : memref<100000x768xf32, #tpu.memory_space<hbm>>) dst(%arg18 : memref<16x768xf32, #tpu.memory_space<vmem>>)
    %dma_wait3A_284 = arith.constant 0 : i32
    %dma_wait3A_285 = tpu.memref_slice %arg11[%dma_wait3A_284] : memref<32xi32, #tpu.memory_space<vmem>> -> memref<16xi32, #tpu.memory_space<vmem>>
    %dma_wait3A_286 = arith.constant 0 : i32
    %dma_wait3A_287 = arith.constant 0 : i32
    %dma_wait3A_288 = tpu.memref_slice %arg7[%dma_wait3A_286, %dma_wait3A_287] : memref<1000x768xf32, #tpu.memory_space<hbm>> -> memref<1000x768xf32, #tpu.memory_space<hbm>>
    tpu.wait_indirect_dma semaphore(%arg32 : memref<!tpu.dma_semaphore, #tpu.memory_space<semaphore_mem>>) src(%dma_wait3A_288 : memref<1000x768xf32, #tpu.memory_space<hbm>>) dst(%arg19 : memref<16x768xf32, #tpu.memory_space<vmem>>)
    %get3A_289 = arith.constant 0 : index
    %get3A_290 = tpu.vector_load %arg13[%get3A_289] {strides = array<i32>} : memref<32xf32, #tpu.memory_space<vmem>>, vector<16xf32>,
    %sub3A_291 = arith.subf %get3A_290, %min3A_228 : vector<16xf32>
    %mul3A_292 = arith.mulf %sub3A_291, %div3A_259 : vector<16xf32>
    %get3A_293 = arith.constant 0 : index
    %get3A_294 = tpu.vector_load %arg14[%get3A_293] {strides = array<i32>} : memref<32xf32, #tpu.memory_space<vmem>>, vector<16xf32>,
    %sub3A_295 = arith.subf %get3A_294, %min3A_228 : vector<16xf32>
    %mul3A_296 = arith.mulf %sub3A_295, %div3A_259 : vector<16xf32>
    %add3A_297 = arith.constant 1.000000e+00 : f32
    %add3A_298 = vector.broadcast %add3A_297 : f32 to vector<16xf32>
    %add3A_299 = arith.addf %add3A_298, %mul3A_292 : vector<16xf32>
    %div3A_300 = arith.constant 1.000000e+00 : f32
    %div3A_301 = vector.broadcast %div3A_300 : f32 to vector<16xf32>
    %div3A_302 = arith.divf %div3A_301, %add3A_299 : vector<16xf32>
    %mul3A_303 = arith.mulf %mul3A_292, %div3A_302 : vector<16xf32>
    %add3A_304 = arith.constant 1.000000e+00 : f32
    %add3A_305 = vector.broadcast %add3A_304 : f32 to vector<16xf32>
    %add3A_306 = arith.addf %add3A_305, %mul3A_296 : vector<16xf32>
    %div3A_307 = arith.constant 1.000000e+00 : f32
    %div3A_308 = vector.broadcast %div3A_307 : f32 to vector<16xf32>
    %div3A_309 = arith.divf %div3A_308, %add3A_306 : vector<16xf32>
    %mul3A_310 = arith.mulf %mul3A_296, %div3A_309 : vector<16xf32>
    %broadcast_in_dim3A = arith.constant 0.000000e+00 : f32
    %broadcast_in_dim3A_311 = vector.broadcast %broadcast_in_dim3A : f32 to vector<16xf32>
    %parallel_loop3A = arith.constant 0 : i32
    %parallel_loop3A_312 = arith.constant 768 : i32
    %parallel_loop3A_313 = arith.constant 1 : i32
    %parallel_loop3A_314 = scf.for %parallel_loop3A_442 = %parallel_loop3A to %parallel_loop3A_312 step %parallel_loop3A_313 iter_args(%parallel_loop3A_443 = %broadcast_in_dim3A_311) -> (vector<16xf32>)  : i32 {
      %parallel_loop3A_444 = vector.broadcast %parallel_loop3A_442 : i32 to vector<16xi32>
      %parallel_loop3A_445 = arith.addi %parallel_loop3A_444, %iota3A : vector<16xi32>
      %parallel_loop3A_446 = arith.constant 768 : i32
      %parallel_loop3A_447 = vector.broadcast %parallel_loop3A_446 : i32 to vector<16xi32>
      %parallel_loop3A_448 = arith.cmpi sge, %parallel_loop3A_445, %parallel_loop3A_447 : vector<16xi32>
      %parallel_loop3A_449 = arith.constant 768 : i32
      %parallel_loop3A_450 = vector.broadcast %parallel_loop3A_449 : i32 to vector<16xi32>
      %parallel_loop3A_451 = arith.subi %parallel_loop3A_445, %parallel_loop3A_450 : vector<16xi32>
      %parallel_loop3A_452 = arith.select %parallel_loop3A_448, %parallel_loop3A_451, %parallel_loop3A_445 : vector<16xi1>, vector<16xi32>
      %parallel_loop3A_453 = tpu.vector_load_idx %arg15[%iota3A, %parallel_loop3A_452] : memref<16x768xf32, #tpu.memory_space<vmem>>[vector<16xi32>, vector<16xi32>], vector<16xf32>,
      %parallel_loop3A_454 = tpu.vector_load_idx %arg16[%iota3A, %parallel_loop3A_452] : memref<16x768xf32, #tpu.memory_space<vmem>>[vector<16xi32>, vector<16xi32>], vector<16xf32>,
      %parallel_loop3A_455 = tpu.vector_load_idx %arg17[%iota3A, %parallel_loop3A_452] : memref<16x768xf32, #tpu.memory_space<vmem>>[vector<16xi32>, vector<16xi32>], vector<16xf32>,
      %parallel_loop3A_456 = tpu.vector_load_idx %arg18[%iota3A, %parallel_loop3A_452] : memref<16x768xf32, #tpu.memory_space<vmem>>[vector<16xi32>, vector<16xi32>], vector<16xf32>,
      %parallel_loop3A_457 = tpu.vector_load_idx %arg19[%iota3A, %parallel_loop3A_452] : memref<16x768xf32, #tpu.memory_space<vmem>>[vector<16xi32>, vector<16xi32>], vector<16xf32>,
      %parallel_loop3A_458 = arith.mulf %div3A_302, %parallel_loop3A_453 : vector<16xf32>
      %parallel_loop3A_459 = arith.mulf %mul3A_303, %parallel_loop3A_454 : vector<16xf32>
      %parallel_loop3A_460 = arith.addf %parallel_loop3A_458, %parallel_loop3A_459 : vector<16xf32>
      %parallel_loop3A_461 = arith.addf %parallel_loop3A_460, %parallel_loop3A_457 : vector<16xf32>
      %parallel_loop3A_462 = arith.mulf %div3A_309, %parallel_loop3A_455 : vector<16xf32>
      %parallel_loop3A_463 = arith.subf %parallel_loop3A_461, %parallel_loop3A_462 : vector<16xf32>
      %parallel_loop3A_464 = arith.mulf %mul3A_310, %parallel_loop3A_456 : vector<16xf32>
      %parallel_loop3A_465 = arith.subf %parallel_loop3A_463, %parallel_loop3A_464 : vector<16xf32>
      %parallel_loop3A_466 = arith.mulf %parallel_loop3A_465, %parallel_loop3A_465 : vector<16xf32>
      %parallel_loop3A_467 = arith.addf %parallel_loop3A_443, %parallel_loop3A_466 : vector<16xf32>
      scf.yield %parallel_loop3A_467 : vector<16xf32>
    } {sc.loop_unroll_factor = 2 : i64, sc.parallel_access}
    %bitcast3A = vector.bitcast %parallel_loop3A_314 : vector<16xf32> to vector<16xi32>
    %shift_right_logical3A = arith.constant 1 : i32
    %shift_right_logical3A_315 = vector.broadcast %shift_right_logical3A : i32 to vector<16xi32>
    %shift_right_logical3A_316 = arith.shrui %bitcast3A, %shift_right_logical3A_315 : vector<16xi32>
    %sub3A_317 = arith.constant 1597463007 : i32
    %sub3A_318 = vector.broadcast %sub3A_317 : i32 to vector<16xi32>
    %sub3A_319 = arith.subi %sub3A_318, %shift_right_logical3A_316 : vector<16xi32>
    %bitcast3A_320 = vector.bitcast %sub3A_319 : vector<16xi32> to vector<16xf32>
    %mul3A_321 = arith.constant 5.000000e-01 : f32
    %mul3A_322 = vector.broadcast %mul3A_321 : f32 to vector<16xf32>
    %mul3A_323 = arith.mulf %mul3A_322, %parallel_loop3A_314 : vector<16xf32>
    %mul3A_324 = arith.mulf %mul3A_323, %bitcast3A_320 : vector<16xf32>
    %mul3A_325 = arith.mulf %mul3A_324, %bitcast3A_320 : vector<16xf32>
    %sub3A_326 = arith.constant 1.500000e+00 : f32
    %sub3A_327 = vector.broadcast %sub3A_326 : f32 to vector<16xf32>
    %sub3A_328 = arith.subf %sub3A_327, %mul3A_325 : vector<16xf32>
    %mul3A_329 = arith.mulf %bitcast3A_320, %sub3A_328 : vector<16xf32>
    %mul3A_330 = arith.constant 5.000000e-01 : f32
    %mul3A_331 = vector.broadcast %mul3A_330 : f32 to vector<16xf32>
    %mul3A_332 = arith.mulf %mul3A_331, %parallel_loop3A_314 : vector<16xf32>
    %mul3A_333 = arith.mulf %mul3A_332, %mul3A_329 : vector<16xf32>
    %mul3A_334 = arith.mulf %mul3A_333, %mul3A_329 : vector<16xf32>
    %sub3A_335 = arith.constant 1.500000e+00 : f32
    %sub3A_336 = vector.broadcast %sub3A_335 : f32 to vector<16xf32>
    %sub3A_337 = arith.subf %sub3A_336, %mul3A_334 : vector<16xf32>
    %mul3A_338 = arith.mulf %mul3A_329, %sub3A_337 : vector<16xf32>
    %mul3A_339 = arith.constant 5.000000e-01 : f32
    %mul3A_340 = vector.broadcast %mul3A_339 : f32 to vector<16xf32>
    %mul3A_341 = arith.mulf %mul3A_340, %parallel_loop3A_314 : vector<16xf32>
    %mul3A_342 = arith.mulf %mul3A_341, %mul3A_338 : vector<16xf32>
    %mul3A_343 = arith.mulf %mul3A_342, %mul3A_338 : vector<16xf32>
    %sub3A_344 = arith.constant 1.500000e+00 : f32
    %sub3A_345 = vector.broadcast %sub3A_344 : f32 to vector<16xf32>
    %sub3A_346 = arith.subf %sub3A_345, %mul3A_343 : vector<16xf32>
    %mul3A_347 = arith.mulf %mul3A_338, %sub3A_346 : vector<16xf32>
    %mul3A_348 = arith.mulf %parallel_loop3A_314, %mul3A_347 : vector<16xf32>
    %swap3A_349 = arith.constant 0 : index
    %swap3A_350 = tpu.vector_load %arg31[%swap3A_349] {strides = array<i32>} : memref<32xf32, #tpu.memory_space<vmem>>, vector<16xf32>,
    tpu.vector_store %arg31[%swap3A_349], %mul3A_348 {strides = array<i32>} : memref<32xf32, #tpu.memory_space<vmem>>, vector<16xf32>,
    %dma_wait3A_351 = arith.constant 16 : i32
    %dma_wait3A_352 = tpu.memref_slice %arg10[%dma_wait3A_351] : memref<32xi32, #tpu.memory_space<vmem>> -> memref<16xi32, #tpu.memory_space<vmem>>
    %dma_wait3A_353 = arith.constant 0 : i32
    %dma_wait3A_354 = arith.constant 0 : i32
    %dma_wait3A_355 = tpu.memref_slice %arg5[%dma_wait3A_353, %dma_wait3A_354] : memref<100000x768xf32, #tpu.memory_space<hbm>> -> memref<100000x768xf32, #tpu.memory_space<hbm>>
    tpu.wait_indirect_dma semaphore(%arg33 : memref<!tpu.dma_semaphore, #tpu.memory_space<semaphore_mem>>) src(%dma_wait3A_355 : memref<100000x768xf32, #tpu.memory_space<hbm>>) dst(%arg20 : memref<16x768xf32, #tpu.memory_space<vmem>>)
    %dma_wait3A_356 = arith.constant 16 : i32
    %dma_wait3A_357 = tpu.memref_slice %arg10[%dma_wait3A_356] : memref<32xi32, #tpu.memory_space<vmem>> -> memref<16xi32, #tpu.memory_space<vmem>>
    %dma_wait3A_358 = arith.constant 0 : i32
    %dma_wait3A_359 = arith.constant 0 : i32
    %dma_wait3A_360 = tpu.memref_slice %arg6[%dma_wait3A_358, %dma_wait3A_359] : memref<100000x768xf32, #tpu.memory_space<hbm>> -> memref<100000x768xf32, #tpu.memory_space<hbm>>
    tpu.wait_indirect_dma semaphore(%arg33 : memref<!tpu.dma_semaphore, #tpu.memory_space<semaphore_mem>>) src(%dma_wait3A_360 : memref<100000x768xf32, #tpu.memory_space<hbm>>) dst(%arg21 : memref<16x768xf32, #tpu.memory_space<vmem>>)
    %dma_wait3A_361 = arith.constant 16 : i32
    %dma_wait3A_362 = tpu.memref_slice %arg12[%dma_wait3A_361] : memref<32xi32, #tpu.memory_space<vmem>> -> memref<16xi32, #tpu.memory_space<vmem>>
    %dma_wait3A_363 = arith.constant 0 : i32
    %dma_wait3A_364 = arith.constant 0 : i32
    %dma_wait3A_365 = tpu.memref_slice %arg5[%dma_wait3A_363, %dma_wait3A_364] : memref<100000x768xf32, #tpu.memory_space<hbm>> -> memref<100000x768xf32, #tpu.memory_space<hbm>>
    tpu.wait_indirect_dma semaphore(%arg33 : memref<!tpu.dma_semaphore, #tpu.memory_space<semaphore_mem>>) src(%dma_wait3A_365 : memref<100000x768xf32, #tpu.memory_space<hbm>>) dst(%arg22 : memref<16x768xf32, #tpu.memory_space<vmem>>)
    %dma_wait3A_366 = arith.constant 16 : i32
    %dma_wait3A_367 = tpu.memref_slice %arg12[%dma_wait3A_366] : memref<32xi32, #tpu.memory_space<vmem>> -> memref<16xi32, #tpu.memory_space<vmem>>
    %dma_wait3A_368 = arith.constant 0 : i32
    %dma_wait3A_369 = arith.constant 0 : i32
    %dma_wait3A_370 = tpu.memref_slice %arg6[%dma_wait3A_368, %dma_wait3A_369] : memref<100000x768xf32, #tpu.memory_space<hbm>> -> memref<100000x768xf32, #tpu.memory_space<hbm>>
    tpu.wait_indirect_dma semaphore(%arg33 : memref<!tpu.dma_semaphore, #tpu.memory_space<semaphore_mem>>) src(%dma_wait3A_370 : memref<100000x768xf32, #tpu.memory_space<hbm>>) dst(%arg23 : memref<16x768xf32, #tpu.memory_space<vmem>>)
    %dma_wait3A_371 = arith.constant 16 : i32
    %dma_wait3A_372 = tpu.memref_slice %arg11[%dma_wait3A_371] : memref<32xi32, #tpu.memory_space<vmem>> -> memref<16xi32, #tpu.memory_space<vmem>>
    %dma_wait3A_373 = arith.constant 0 : i32
    %dma_wait3A_374 = arith.constant 0 : i32
    %dma_wait3A_375 = tpu.memref_slice %arg7[%dma_wait3A_373, %dma_wait3A_374] : memref<1000x768xf32, #tpu.memory_space<hbm>> -> memref<1000x768xf32, #tpu.memory_space<hbm>>
    tpu.wait_indirect_dma semaphore(%arg33 : memref<!tpu.dma_semaphore, #tpu.memory_space<semaphore_mem>>) src(%dma_wait3A_375 : memref<1000x768xf32, #tpu.memory_space<hbm>>) dst(%arg24 : memref<16x768xf32, #tpu.memory_space<vmem>>)
    %get3A_376 = arith.constant 16 : index
    %get3A_377 = tpu.vector_load %arg13[%get3A_376] {strides = array<i32>} : memref<32xf32, #tpu.memory_space<vmem>>, vector<16xf32>,
    %sub3A_378 = arith.subf %get3A_377, %min3A_228 : vector<16xf32>
    %mul3A_379 = arith.mulf %sub3A_378, %div3A_259 : vector<16xf32>
    %get3A_380 = arith.constant 16 : index
    %get3A_381 = tpu.vector_load %arg14[%get3A_380] {strides = array<i32>} : memref<32xf32, #tpu.memory_space<vmem>>, vector<16xf32>,
    %sub3A_382 = arith.subf %get3A_381, %min3A_228 : vector<16xf32>
    %mul3A_383 = arith.mulf %sub3A_382, %div3A_259 : vector<16xf32>
    %add3A_384 = arith.constant 1.000000e+00 : f32
    %add3A_385 = vector.broadcast %add3A_384 : f32 to vector<16xf32>
    %add3A_386 = arith.addf %add3A_385, %mul3A_379 : vector<16xf32>
    %div3A_387 = arith.constant 1.000000e+00 : f32
    %div3A_388 = vector.broadcast %div3A_387 : f32 to vector<16xf32>
    %div3A_389 = arith.divf %div3A_388, %add3A_386 : vector<16xf32>
    %mul3A_390 = arith.mulf %mul3A_379, %div3A_389 : vector<16xf32>
    %add3A_391 = arith.constant 1.000000e+00 : f32
    %add3A_392 = vector.broadcast %add3A_391 : f32 to vector<16xf32>
    %add3A_393 = arith.addf %add3A_392, %mul3A_383 : vector<16xf32>
    %div3A_394 = arith.constant 1.000000e+00 : f32
    %div3A_395 = vector.broadcast %div3A_394 : f32 to vector<16xf32>
    %div3A_396 = arith.divf %div3A_395, %add3A_393 : vector<16xf32>
    %mul3A_397 = arith.mulf %mul3A_383, %div3A_396 : vector<16xf32>
    %broadcast_in_dim3A_398 = arith.constant 0.000000e+00 : f32
    %broadcast_in_dim3A_399 = vector.broadcast %broadcast_in_dim3A_398 : f32 to vector<16xf32>
    %parallel_loop3A_400 = arith.constant 0 : i32
    %parallel_loop3A_401 = arith.constant 768 : i32
    %parallel_loop3A_402 = arith.constant 1 : i32
    %parallel_loop3A_403 = scf.for %parallel_loop3A_442 = %parallel_loop3A_400 to %parallel_loop3A_401 step %parallel_loop3A_402 iter_args(%parallel_loop3A_443 = %broadcast_in_dim3A_399) -> (vector<16xf32>)  : i32 {
      %parallel_loop3A_444 = vector.broadcast %parallel_loop3A_442 : i32 to vector<16xi32>
      %parallel_loop3A_445 = arith.addi %parallel_loop3A_444, %iota3A : vector<16xi32>
      %parallel_loop3A_446 = arith.constant 768 : i32
      %parallel_loop3A_447 = vector.broadcast %parallel_loop3A_446 : i32 to vector<16xi32>
      %parallel_loop3A_448 = arith.cmpi sge, %parallel_loop3A_445, %parallel_loop3A_447 : vector<16xi32>
      %parallel_loop3A_449 = arith.constant 768 : i32
      %parallel_loop3A_450 = vector.broadcast %parallel_loop3A_449 : i32 to vector<16xi32>
      %parallel_loop3A_451 = arith.subi %parallel_loop3A_445, %parallel_loop3A_450 : vector<16xi32>
      %parallel_loop3A_452 = arith.select %parallel_loop3A_448, %parallel_loop3A_451, %parallel_loop3A_445 : vector<16xi1>, vector<16xi32>
      %parallel_loop3A_453 = tpu.vector_load_idx %arg20[%iota3A, %parallel_loop3A_452] : memref<16x768xf32, #tpu.memory_space<vmem>>[vector<16xi32>, vector<16xi32>], vector<16xf32>,
      %parallel_loop3A_454 = tpu.vector_load_idx %arg21[%iota3A, %parallel_loop3A_452] : memref<16x768xf32, #tpu.memory_space<vmem>>[vector<16xi32>, vector<16xi32>], vector<16xf32>,
      %parallel_loop3A_455 = tpu.vector_load_idx %arg22[%iota3A, %parallel_loop3A_452] : memref<16x768xf32, #tpu.memory_space<vmem>>[vector<16xi32>, vector<16xi32>], vector<16xf32>,
      %parallel_loop3A_456 = tpu.vector_load_idx %arg23[%iota3A, %parallel_loop3A_452] : memref<16x768xf32, #tpu.memory_space<vmem>>[vector<16xi32>, vector<16xi32>], vector<16xf32>,
      %parallel_loop3A_457 = tpu.vector_load_idx %arg24[%iota3A, %parallel_loop3A_452] : memref<16x768xf32, #tpu.memory_space<vmem>>[vector<16xi32>, vector<16xi32>], vector<16xf32>,
      %parallel_loop3A_458 = arith.mulf %div3A_389, %parallel_loop3A_453 : vector<16xf32>
      %parallel_loop3A_459 = arith.mulf %mul3A_390, %parallel_loop3A_454 : vector<16xf32>
      %parallel_loop3A_460 = arith.addf %parallel_loop3A_458, %parallel_loop3A_459 : vector<16xf32>
      %parallel_loop3A_461 = arith.addf %parallel_loop3A_460, %parallel_loop3A_457 : vector<16xf32>
      %parallel_loop3A_462 = arith.mulf %div3A_396, %parallel_loop3A_455 : vector<16xf32>
      %parallel_loop3A_463 = arith.subf %parallel_loop3A_461, %parallel_loop3A_462 : vector<16xf32>
      %parallel_loop3A_464 = arith.mulf %mul3A_397, %parallel_loop3A_456 : vector<16xf32>
      %parallel_loop3A_465 = arith.subf %parallel_loop3A_463, %parallel_loop3A_464 : vector<16xf32>
      %parallel_loop3A_466 = arith.mulf %parallel_loop3A_465, %parallel_loop3A_465 : vector<16xf32>
      %parallel_loop3A_467 = arith.addf %parallel_loop3A_443, %parallel_loop3A_466 : vector<16xf32>
      scf.yield %parallel_loop3A_467 : vector<16xf32>
    } {sc.loop_unroll_factor = 2 : i64, sc.parallel_access}
    %bitcast3A_404 = vector.bitcast %parallel_loop3A_403 : vector<16xf32> to vector<16xi32>
    %shift_right_logical3A_405 = arith.constant 1 : i32
    %shift_right_logical3A_406 = vector.broadcast %shift_right_logical3A_405 : i32 to vector<16xi32>
    %shift_right_logical3A_407 = arith.shrui %bitcast3A_404, %shift_right_logical3A_406 : vector<16xi32>
    %sub3A_408 = arith.constant 1597463007 : i32
    %sub3A_409 = vector.broadcast %sub3A_408 : i32 to vector<16xi32>
    %sub3A_410 = arith.subi %sub3A_409, %shift_right_logical3A_407 : vector<16xi32>
    %bitcast3A_411 = vector.bitcast %sub3A_410 : vector<16xi32> to vector<16xf32>
    %mul3A_412 = arith.constant 5.000000e-01 : f32
    %mul3A_413 = vector.broadcast %mul3A_412 : f32 to vector<16xf32>
    %mul3A_414 = arith.mulf %mul3A_413, %parallel_loop3A_403 : vector<16xf32>
    %mul3A_415 = arith.mulf %mul3A_414, %bitcast3A_411 : vector<16xf32>
    %mul3A_416 = arith.mulf %mul3A_415, %bitcast3A_411 : vector<16xf32>
    %sub3A_417 = arith.constant 1.500000e+00 : f32
    %sub3A_418 = vector.broadcast %sub3A_417 : f32 to vector<16xf32>
    %sub3A_419 = arith.subf %sub3A_418, %mul3A_416 : vector<16xf32>
    %mul3A_420 = arith.mulf %bitcast3A_411, %sub3A_419 : vector<16xf32>
    %mul3A_421 = arith.constant 5.000000e-01 : f32
    %mul3A_422 = vector.broadcast %mul3A_421 : f32 to vector<16xf32>
    %mul3A_423 = arith.mulf %mul3A_422, %parallel_loop3A_403 : vector<16xf32>
    %mul3A_424 = arith.mulf %mul3A_423, %mul3A_420 : vector<16xf32>
    %mul3A_425 = arith.mulf %mul3A_424, %mul3A_420 : vector<16xf32>
    %sub3A_426 = arith.constant 1.500000e+00 : f32
    %sub3A_427 = vector.broadcast %sub3A_426 : f32 to vector<16xf32>
    %sub3A_428 = arith.subf %sub3A_427, %mul3A_425 : vector<16xf32>
    %mul3A_429 = arith.mulf %mul3A_420, %sub3A_428 : vector<16xf32>
    %mul3A_430 = arith.constant 5.000000e-01 : f32
    %mul3A_431 = vector.broadcast %mul3A_430 : f32 to vector<16xf32>
    %mul3A_432 = arith.mulf %mul3A_431, %parallel_loop3A_403 : vector<16xf32>
    %mul3A_433 = arith.mulf %mul3A_432, %mul3A_429 : vector<16xf32>
    %mul3A_434 = arith.mulf %mul3A_433, %mul3A_429 : vector<16xf32>
    %sub3A_435 = arith.constant 1.500000e+00 : f32
    %sub3A_436 = vector.broadcast %sub3A_435 : f32 to vector<16xf32>
    %sub3A_437 = arith.subf %sub3A_436, %mul3A_434 : vector<16xf32>
    %mul3A_438 = arith.mulf %mul3A_429, %sub3A_437 : vector<16xf32>
    %mul3A_439 = arith.mulf %parallel_loop3A_403, %mul3A_438 : vector<16xf32>
    %swap3A_440 = arith.constant 16 : index
    %swap3A_441 = tpu.vector_load %arg31[%swap3A_440] {strides = array<i32>} : memref<32xf32, #tpu.memory_space<vmem>>, vector<16xf32>,
    tpu.vector_store %arg31[%swap3A_440], %mul3A_439 {strides = array<i32>} : memref<32xf32, #tpu.memory_space<vmem>>, vector<16xf32>,
    "tpu.region"() ({
      %run_scoped3A = tpu.sem_alloc : memref<!tpu.dma_semaphore, #tpu.memory_space<semaphore_mem>>
      %dma_start3A_442 = tpu.memref_slice %arg9[%mul3A_2] : memref<1024xf32, #tpu.memory_space<hbm>> -> memref<32xf32, #tpu.memory_space<hbm>>
      %dma_start3A_443 = tpu.memref_slice %arg9[%mul3A_2] : memref<1024xf32, #tpu.memory_space<hbm>> -> memref<32xf32, #tpu.memory_space<hbm>>
      tpu.enqueue_dma source(%arg31 : memref<32xf32, #tpu.memory_space<vmem>>) target(%dma_start3A_443 : memref<32xf32, #tpu.memory_space<hbm>>) target_semaphore(%run_scoped3A : memref<!tpu.dma_semaphore, #tpu.memory_space<semaphore_mem>>)
      %dma_wait3A_444 = tpu.memref_slice %arg9[%mul3A_2] : memref<1024xf32, #tpu.memory_space<hbm>> -> memref<32xf32, #tpu.memory_space<hbm>>
      %dma_wait3A_445 = tpu.memref_slice %arg9[%mul3A_2] : memref<1024xf32, #tpu.memory_space<hbm>> -> memref<32xf32, #tpu.memory_space<hbm>>
      tpu.wait_dma2 semaphore(%run_scoped3A : memref<!tpu.dma_semaphore, #tpu.memory_space<semaphore_mem>>) src(%arg31 : memref<32xf32, #tpu.memory_space<vmem>>) dst(%dma_wait3A_445 : memref<32xf32, #tpu.memory_space<hbm>>)
      tpu.yield
    }) : () -> ()
    return
  }
}

</mosaic_0001>

<sc_bundles>
// kernel: _score.3.cloned.1.call-start
scs
__scs_entry_jumppad:
0x0: {  	(pc) =	sbr.rel $0x88, $3  }
0x1: {  	(tag) =	ssettag $0x0;
	lr =	simm.s32 $0x1  }
0x2: {  	[smem:$0x3F9A] =	sst lr;
	_ =	strace $0xD0000000  }
0x3: {  	_ = 	snop  }
0x4: {  	_ = 	snop  }
0x5: {  	_ = 	snop  }
0x6: {  	_ = 	snop  }
0x7: {  	_ = 	snop  }
__scs_overlays_trampoline_lowered:
0x8: {  	[smem:$0x3FA9] =	sst s0  }
0x9: {  	[smem:$0x3FAA] =	sst s1  }
0xa: {  	[smem:$0x3FAB] =	sst s2  }
0xb: {  	[smem:$0x3FAC] =	sst s3  }
0xc: {  	[smem:$0x3FAD] =	sst s4  }
0xd: {  	[smem:$0x3FAE] =	sst s5  }
0xe: {  	[smem:$0x3FAF] =	sst s6  }
0xf: {  	[smem:$0x3FB0] =	sst s7  }
0x10: {  	[smem:$0x3FB1] =	sst s8  }
0x11: {  	[smem:$0x3FB2] =	sst s9;
	s0 =	simm.s32 @!p0 $0x0  }
0x12: {  	s1 =	sld [smem:$0x3F98];
	s0 =	simm.s32 @p0 $0x1  }
0x13: {  	[smem:$0x3FB3] =	sst s0;
	s0 =	simm.s32 @!p1 $0x0  }
0x14: {  	s2 =	sld [smem:$0x3F97];
	s0 =	simm.s32 @p1 $0x1  }
0x15: {  	[smem:$0x3FB4] =	sst s0;
	s0 =	simm.s32 @!p2 $0x0  }
0x16: {  	s3 =	sld [smem:$0x3FDB];
	s0 =	simm.s32 @p2 $0x1  }
0x17: {  	s4 =	simm.s32 $0x1BF5;
	[smem:$0x3FB6] =	sst s0  }
0x18: {  	s0 =	sld [smem:$0x3F99];
	_ =	swait.ge [sflag:s4], $0x0  }
0x19: {  	s7 =	sld [smem:$0x3F9A]  }
0x1a: {  	s8 =	sadd.s32 $0xFFFFE003, lr  }
0x1b: {  	s9 =	sadd.s32 $0xFFFFFEF7, lr;
	s5 =	simm.s32 $0xFFFFFFFF;
	p2 =	slt.u32 s8, $0xFFFFF086  }
0x1c: {  	p1 =	slt.u32 s9, $0xF7A;
	s5 =	simm.s32 @!p2 $0x0  }
0x1d: {  	s5 =	simm.s32 @p1 $0x1;
	p0 =	seq.s32 s7, s2  }
0x1e: {  	s7 =	smul.u32 @!p0 $0xF7A, s2;
	p2 =	seq.s32 @!p0 s5, $0x0  }
0x1f: {  	s9 =	smul.u32 $0xF7A, s1;
	s8 =	simm.s32 @!p0 $0x1BF5;
	p2 =	por !p2, p0  }
0x20: {  	[sflag:s8] =	ssyncset.s32 @!p0 $0xFFFFF086;
	s6 =	sadd.s32 @!p0 s3, s7;
	s7 =	simm.s32 @!p0 $0x108  }
0x21: {  	s3 =	sadd.s32 s3, s9;
	s6 =	sadd.s32 @!p0 $0x88, s6;
	s7 =	simm.s32 @p2 $0x1082  }
0x22: {  	[simem:s7], [sflag:s8] =	dma.local @!p0 [hbm:s6], $0xF7A  }
0x23: {  	s9 =	sor.u32 $0xD0000000, s2;
	s6 =	simm.s32 $0x108;
	_ =	swait.ge @!p0 [sflag:s8], $0x0  }
0x24: {  	s3 =	sadd.s32 $0x88, s3;
	s6 =	simm.s32 @!p1 $0x1082;
	[sflag:s4] =	ssyncset.s32 $0xFFFFF086  }
0x25: {  	[simem:s6], [sflag:s4] =	dma.local [hbm:s3], $0xF7A  }
0x26: {  	[smem:$0x3F9A] =	sst s1;
	(tag) =	ssettag s2;
	_ =	strace s9  }
0x27: {  	s1 =	sld [smem:$0x3FAA]  }
0x28: {  	s2 =	sld [smem:$0x3FAB]  }
0x29: {  	s4 =	sld [smem:$0x3FAD]  }
0x2a: {  	p0 =	seq.s32 s5, $0x0;
	s5 =	sld [smem:$0x3FAE]  }
0x2b: {  	s6 =	sld [smem:$0x3FAF]  }
0x2c: {  	s7 =	sld [smem:$0x3FB0]  }
0x2d: {  	s3 =	simm.s32 $0x108;
	s8 =	sld [smem:$0x3FB1]  }
0x2e: {  	s3 =	simm.s32 @!p0 $0x1082;
	s9 =	sld [smem:$0x3FB2]  }
0x2f: {  	lr =	sadd.s32 s0, s3;
	s0 =	sld [smem:$0x3FA9]  }
0x30: {  	s3 =	sld [smem:$0x3FAC]  }
0x31: {  	[smem:$0x3FB5] =	sst s10  }
0x32: {  	s10 =	sld [smem:$0x3FB3];
	_ =	sdelay $0x3  }
0x33: {  	p0 =	seq.s32 s10, $0x1;
	s10 =	sld [smem:$0x3FB5];
	_ =	sdelay $0x3  }
0x34: {  	[smem:$0x3FB5] =	sst s10  }
0x35: {  	s10 =	sld [smem:$0x3FB4];
	_ =	sdelay $0x3  }
0x36: {  	p1 =	seq.s32 s10, $0x1;
	s10 =	sld [smem:$0x3FB5];
	_ =	sdelay $0x3  }
0x37: {  	[smem:$0x3FB5] =	sst s10  }
0x38: {  	s10 =	sld [smem:$0x3FB6]  }
0x39: {  	_ = 	snop;
	(pc) =	sbr.ind lr, $3  }
0x3a: {  	_ = 	snop  }
0x3b: {  	_ = 	snop  }
0x3c: {  	p2 =	seq.s32 s10, $0x1;
	s10 =	sld [smem:$0x3FB5]  }
0x3d: {  	_ =	shalt  }
0x3e: {  	_ =	shalt  }
0x3f: {  	_ =	shalt  }
0x40: {  	_ =	shalt  }
0x41: {  	_ =	shalt  }
0x42: {  	_ =	shalt  }
0x43: {  	_ =	shalt  }
0x44: {  	_ =	shalt  }
0x45: {  	_ =	shalt  }
0x46: {  	_ =	shalt  }
0x47: {  	_ =	shalt  }
0x48: {  	_ =	shalt  }
0x49: {  	_ =	shalt  }
0x4a: {  	_ =	shalt  }
0x4b: {  	_ =	shalt  }
0x4c: {  	_ =	shalt  }
0x4d: {  	_ =	shalt  }
0x4e: {  	_ =	shalt  }
0x4f: {  	_ =	shalt  }
0x50: {  	_ =	shalt  }
0x51: {  	_ =	shalt  }
0x52: {  	_ =	shalt  }
0x53: {  	_ =	shalt  }
0x54: {  	_ =	shalt  }
0x55: {  	_ =	shalt  }
0x56: {  	_ =	shalt  }
0x57: {  	_ =	shalt  }
0x58: {  	_ =	shalt  }
0x59: {  	_ =	shalt  }
0x5a: {  	_ =	shalt  }
0x5b: {  	_ =	shalt  }
0x5c: {  	_ =	shalt  }
0x5d: {  	_ =	shalt  }
0x5e: {  	_ =	shalt  }
0x5f: {  	_ =	shalt  }
0x60: {  	_ =	shalt  }
0x61: {  	_ =	shalt  }
0x62: {  	_ =	shalt  }
0x63: {  	_ =	shalt  }
0x64: {  	_ =	shalt  }
0x65: {  	_ =	shalt  }
0x66: {  	_ =	shalt  }
0x67: {  	_ =	shalt  }
0x68: {  	_ =	shalt  }
0x69: {  	_ =	shalt  }
0x6a: {  	_ =	shalt  }
0x6b: {  	_ =	shalt  }
0x6c: {  	_ =	shalt  }
0x6d: {  	_ =	shalt  }
0x6e: {  	_ =	shalt  }
0x6f: {  	_ =	shalt  }
0x70: {  	_ =	shalt  }
0x71: {  	_ =	shalt  }
0x72: {  	_ =	shalt  }
0x73: {  	_ =	shalt  }
0x74: {  	_ =	shalt  }
0x75: {  	_ =	shalt  }
0x76: {  	_ =	shalt  }
0x77: {  	_ =	shalt  }
0x78: {  	_ =	shalt  }
0x79: {  	_ =	shalt  }
0x7a: {  	_ =	shalt  }
0x7b: {  	_ =	shalt  }
0x7c: {  	_ =	shalt  }
0x7d: {  	_ =	shalt  }
0x7e: {  	_ =	shalt  }
0x7f: {  	_ =	shalt  }
0x80: {  	_ =	shalt  }
0x81: {  	_ =	shalt  }
0x82: {  	_ =	shalt  }
0x83: {  	_ =	shalt  }
0x84: {  	_ =	shalt  }
0x85: {  	_ =	shalt  }
0x86: {  	_ =	shalt  }
0x87: {  	_ =	shalt  }
.Lfunc_end0:
.L_simem_size_0:
called_computation_lowered:
.L_overlay_start_0:
0x88: {  	s2 =	sld [smem:$0x3FD9]  }
0x89: {  	s3 =	sld [smem:$0x3FFE];
	_ =	sdelay $0x1  }
0x8a: {  	s1 =	srdreg.scid  }
0x8b: {  	s0 =	sand.u32 $0x1, s1  }
0x8c: {  	s18 =	sshll.u32 s0, $0xA;
	s2 =	sadd.s32 s3, s2  }
0x8d: {  	s2 =	sadd.s32 s2, s18  }
0x8e: {  	[smem:$0x3FC1] =	sst s2  }
0x8f: {  	_ = 	snop  }
0x90: {  	s2 =	sld [smem:$0x3FC9]  }
0x91: {  	s19 =	sld [smem:$0x3FC8]  }
0x92: {  	s4 =	sld [smem:$0x3FC7]  }
0x93: {  	s5 =	sld [smem:$0x3FC6]  }
0x94: {  	s6 =	sld [smem:$0x3FC5]  }
0x95: {  	s7 =	sld [smem:$0x3FC4]  }
0x96: {  	s8 =	sld [smem:$0x3FC3]  }
0x97: {  	s9 =	sld [smem:$0x3FD0];
	(tm) =	ssettm $0x1  }
0x98: {  	s10 =	sld [smem:$0x3FFB];
	_ =	sdelay $0x3  }
0x99: {  	_ =	strace s10  }
0x9a: {  	s10 =	sld [smem:$0x3FFC];
	_ =	sdelay $0x3  }
0x9b: {  	_ =	strace s10  }
0x9c: {  	s10 =	sld [smem:$0x3FFD];
	_ =	sdelay $0x3  }
0x9d: {  	_ =	strace s10  }
0x9e: {  	_ =	strace $0x8FFFFFFF  }
0x9f: {  	s20 =	sld [smem:$0x3FDB];
	_ =	sdelay $0x1  }
0xa0: {  	s11 =	simm.s32 $_scs_section_size  }
0xa1: {  	s12 =	simm.s32 $_size__tile_overlayer_lowered;
	s13 =	simm.s32 $_tile_overlayer_lowered  }
0xa2: {  	s23 =	simm.s32 $0x1BFF;
	s22 =	sshll.u32 s13, $0x1;
	s10 =	sadd.s32 s11, s20  }
0xa3: {  	s14 =	simm.s32 $0x0;
	s21 =	sshll.u32 s12, $0x1;
	s12 =	sadd.s32 s22, s10  }
0xa4: {  	[timem:s14], [sflag:s23] =	dma.local [hbm:s12], s21  }
0xa5: {  	_ =	swait.ge [sflag:s23], s21  }
0xa6: {  	s11 =	ssub.s32 $0x0, s21;
	[sflag:s23] =	ssyncset.done $0x0  }
0xa7: {  	[sflag:s23] =	ssyncadd.s32 s11;
	_ =	sdelay $0x1  }
0xa8: {  	s24 =	simm.s32 $0x1B8B  }
0xa9: {  	_ =	swait.ge [sflag:s24], $0x1  }
0xaa: {  	[sflag:s24] =	ssyncset.done $0x0  }
0xab: {  	s25 =	simm.s32 $0x1B8E;
	[sflag:s24] =	ssyncadd.s32 $0xFFFFFFFF  }
0xac: {  	s26 =	simm.s32 $execute0_lowered;
	[smem:$0x3FD2] =	sst s25  }
0xad: {  	s11 =	sshll.u32 s26, $0x1;
	_ =	strace $0x80000046;
	[dreg:$0x1] =	wrdreg $0xFFFFFFFF  }
0xae: {  	s28 =	simm.s32 $_size_execute0_lowered;
	s10 =	sadd.s32 s10, s11;
	[dreg:$0x0] =	wrdreg $0x0  }
0xaf: {  	s11 =	sshll.u32 s28, $0x1;
	[dreg:$0x2] =	wrdreg s10  }
0xb0: {  	[dreg:$0x3] =	wrdreg s11  }
0xb1: {  	[dreg:$0x4] =	wrdreg $0xC0  }
0xb2: {  	_ =	task [dreg:s14], $0x5FFFF  }
0xb3: {  	[dreg:$0x1] =	wrdreg $0xFFFFFFFF  }
0xb4: {  	[dreg:$0x0] =	wrdreg $0x60  }
0xb5: {  	[dreg:$0x2] =	wrdreg s2  }
0xb6: {  	[dreg:$0x3] =	wrdreg s19  }
0xb7: {  	[dreg:$0x4] =	wrdreg s4  }
0xb8: {  	[dreg:$0x5] =	wrdreg s5  }
0xb9: {  	[dreg:$0x6] =	wrdreg s6  }
0xba: {  	[dreg:$0x7] =	wrdreg s7  }
0xbb: {  	[dreg:$0x8] =	wrdreg s8  }
0xbc: {  	[dreg:$0x9] =	wrdreg s9  }
0xbd: {  	[dreg:$0xa] =	wrdreg $0x1FE000  }
0xbe: {  	[dreg:$0xb] =	wrdreg $0x9  }
0xbf: {  	_ =	task.clear_ibuf [dreg:s14], $0xCFFFF;
	_ =	strace $0x90000046  }
0xc0: {  	s29 =	simm.s32 $0x9;
	_ =	strace $0x80000048  }
0xc1: {  	_ =	swait.ge [sflag:s29], $0x1  }
0xc2: {  	[sflag:s29] =	ssyncadd.s32 $0xFFFFFFFF  }
0xc3: {  	_ =	strace $0x90000048  }
0xc4: {  	_ =	sfence  }
0xc5: {  	s30 =	sld [smem:$0x0];
	_ =	sdelay $0x2  }
0xc6: {  	s31 =	sshll.u32 s1, $0xD;
	s1 =	sshrl.u32 s1, $0x2  }
0xc7: {  	s3 =	sand.u32 $0x4000, s31;
	s1 =	sadd.s32 s1, s30  }
0xc8: {  	s0 =	sor.u32 s3, s0;
	s1 =	sshll.u32 s1, $0x11  }
0xc9: {  	s0 =	sor.u32 s1, s0  }
0xca: {  	s0 =	sadd.s32 $0x8F2B, s0  }
0xcb: {  	[sflag:s0] =	ssyncadd.remote.s32 $0x1  }
0xcc: {  	_ =	sfence.sel $0xFFFF  }
0xcd: {  	[dreg:$0x0] =	wrdreg $0xFFFFFFFF;
	(pc) =	sbr.abs _section_cstart, $3  }
0xce: {  	[dreg:$0x1] =	wrdreg $0xFFFFFFFF  }
0xcf: {  	_ =	task.clear_ibuf [dreg:s14], $0x2FFFF;
	_ =	strace $0x9FFFFFFF  }
0xd0: {  	(tm) =	ssettm $0x7FFFFFFF  }
0xd1: {  	_ =	shalt  }
tec
execute0_lowered:
.L_overlay_start_1:
0x0: {  	(tag) =	ssettag $0x1  }
0x1: {  	s0 =	rddreg [dreg:$0x0]  }
0x2: {  	s4 =	rddreg [dreg:$0x1]  }
0x3: {  	s5 =	rddreg [dreg:$0x2]  }
0x4: {  	s1 =	rddreg [dreg:$0x3]  }
0x5: {  	s2 =	rddreg [dreg:$0x4];
	v0 =	vimm.s32 $0xEFCDAB89;
	v1 =	vimm.s32 $0x67452301;
	v2 =	vimm.s32 $0xDCFE98BA  }
0x6: {  	s3 =	rddreg [dreg:$0x5];
	v4 =	vimm.s32 $0x54761032;
	v3 =	vunpack.c.l.s4.s8 v0;
	v1 =	vunpack.c.l.s4.s8 v1  }
0x7: {  	s13 =	rddreg [dreg:$0x6];
	v5 =	vimm.s32 $0xBA98FEDC;
	v2 =	vunpack.c.l.s4.s8 v2;
	v4 =	vunpack.c.l.s4.s8 v4  }
0x8: {  	s6 =	rddreg [dreg:$0x7];
	v6 =	vimm.s32 $0x32107654;
	v3 =	vunpack.c.0.s8.s32 v3;
	v1 =	vunpack.c.0.s8.s32 v1  }
0x9: {  	s19 =	rddreg [dreg:$0x8];
	s7 =	simm.s32 $0x0;
	vm0 =	vcmask $0x300;
	v2 =	vunpack.c.0.s8.s32 v2;
	v4 =	vunpack.c.0.s8.s32 v4  }
0xa: {  	s8 =	srdreg.scid;
	s18 =	stileid.u32;
	s31 =	simm.s32 $0x280;
	vm1 =	vcmask $0x1714;
	v7 =	vcombine.low v1, v3;
	v1 =	vunpack.c.l.s4.s8 v5  }
0xb: {  	s30 =	simm.s32 $0xF280;
	s29 =	simm.s32 $0x12280;
	s28 =	simm.s32 $0x0;
	v0 =	vlaneseq.u32;
	v8 =	vcombine.low v4, v2;
	v2 =	vunpack.c.l.s4.s8 v6  }
0xc: {  	[smem:$0x7FF] =	sst s7;
	s8 =	sand.u32 $0x1, s8;
	s9 =	smul.u32 $0x1870, s18;
	v3 =	vimm.s32 $0x76543210;
	v5 =	vunpack.c.0.s8.s32 v1;
	v1 =	vimm.s32 $0x1B80  }
0xd: {  	s11 =	sshll.u32 s18, $0x3;
	s14 =	sadd.s32 $0x200, s1;
	s15 =	sadd.s32 $0x100, s2;
	v2 =	vunpack.c.0.s8.s32 v2;
	v6 =	vsel vm0, $0x0, v1;
	vm0 =	vcmask $0x704  }
0xe: {  	s16 =	sadd.s32 $0x200, s2;
	s17 =	sadd.s32 $0x100, s3;
	s24 =	sshll.u32 s18, $0x5;
	v4 =	vimm.s32 $0xFEDCBA98;
	v6 =	vsel vm0, $0x80, v6;
	vm0 =	vcmask $0xB08  }
0xf: {  	s18 =	sadd.s32 $0x200, s3;
	_ =	strace $0x80000047;
	s10 =	ssub.s32 $0x2, s8;
	v9 =	vcombine.low v2, v5;
	v2 =	vsel vm0, $0x100, v6;
	vm0 =	vcmask $0xF0C  }
0x10: {  	s8 =	sshll.u32 s8, $0x2;
	s9 =	smin.u32 s9, $0x16E30;
	s12 =	sshrl.u32 s10, $0x1;
	v5 =	vshrl.u32 v0, $0x3;
	v6 =	vsel vm0, $0x180, v2;
	vm0 =	vcmask $0x1310  }
0x11: {  	s8 =	sor.u32 s8, s11;
	s11 =	simm.s32 $0x1;
	s9 =	sshrl.u32 s9, $0x3;
	v4 =	vunpack.c.l.s4.s8 v4;
	v2 =	vmul.u32 $0x8, v5;
	v5 =	vsel vm0, $0x200, v6  }
0x12: {  	s10 =	ssub.s32 s10, s12;
	s0 =	sadd.s32 s0, s8;
	s21 =	sadd.s32 s4, s8;
	v3 =	vunpack.c.l.s4.s8 v3;
	v5 =	vsel vm1, $0x280, v5;
	vm1 =	vcmask $0x1B18  }
0x13: {  	s22 =	sadd.s32 s5, s8;
	s25 =	sadd.s32 s6, s8;
	s6 =	simm.s32 $0x6280;
	v1 =	vand.u32 $0x7, v0;
	v5 =	vsel vm1, $0x300, v5;
	vm1 =	vcmask $0x1F1C  }
0x14: {  	s5 =	simm.s32 $0x15280;
	s4 =	simm.s32 $0x1B280;
	[dreg:$0xa] =	wrdreg s0;
	v4 =	vunpack.c.0.s8.s32 v4;
	v5 =	vsel vm1, $0x380, v5;
	vm1 =	vcmask $0x2320  }
0x15: {  	s8 =	simm.s32 $0x1FE20;
	s12 =	simm.s32 $0x2;
	[dreg:$0xb] =	wrdreg s21;
	v3 =	vunpack.c.0.s8.s32 v3;
	v5 =	vsel vm1, $0x1800, v5;
	vm1 =	vcmask $0x2724  }
0x16: {  	s9 =	sadd.s32 s13, s9;
	[dreg:$0xc] =	wrdreg s22;
	s13 =	sadd.s32 $0x100, s1;
	v4 =	vand.u32 $0xF, v4;
	v5 =	vsel vm1, $0x1880, v5;
	vm1 =	vcmask $0x2B28  }
0x17: {  	s0 =	sadd.s32 s24, s19;
	[dreg:$0xf] =	wrdreg s25;
	s26 =	smax.u32 s10, $0x1;
	v3 =	vcombine.low v4, v3;
	v5 =	vsel vm1, $0x1900, v5;
	vm1 =	vcmask $0x2F2C  }
0x18: {  	s25 =	simm.s32 $0x3280;
	s22 =	simm.s32 $0x9280;
	[dreg:$0x11] =	wrdreg s9;
	v4 =	vor.u32 $0x8, v0;
	v5 =	vsel vm1, $0x1980, v5;
	vm1 =	vcmask $0x3330  }
0x19: {  	s24 =	simm.s32 $0xC280;
	s10 =	simm.s32 $0x3;
	[dreg:$0xe] =	wrdreg s0;
	vm0 =	vmmov $0xffff;
	v6 =	vsel vm1, $0x1A00, v5;
	vm1 =	vcmask $0x3734  }
0x1a: {  	s23 =	sadd.s32 $0x188, s9;
	[dreg:$0x10] =	wrdreg s26;
	s26 =	simm.s32 $0x4;
	v5 =	vand.u32 $0xF, v7;
	v10 =	vsel vm1, $0x1A80, v6;
	vm1 =	vcmask $0x3B38  }
0x1b: {  	s0 =	simm.s32 $0x18280;
	[dreg:$0xd] =	wrdreg s23;
	s23 =	simm.s32 $0x5;
	v7 =	vand.u32 $0xF, v9;
	v6 =	vand.u32 $0xF, v8;
	v8 =	vsel vm1, $0x1B00, v10  }
.LBB2_1:
0x1c: {  	s19 =	rddreg [dreg:$0xa]  }
0x1d: {  	[tilespmem:s7], [sflag:$0x4] =	stream.linear.gather [hbm4b:s19+s7], $0x20, $0x38;
	[tilespmem:$0x1FF20] =	vst v63  }
0x1e: {  	s21 =	rddreg [dreg:$0xb];
	s20 =	simm.s32 $0x80  }
0x1f: {  	[tilespmem:s20], [sflag:$0x4] =	stream.linear.gather [hbm4b:s21+s7], $0x20, $0x38;
	[tilespmem:$0x1FF20] =	vst v63  }
0x20: {  	s9 =	rddreg [dreg:$0xc];
	s20 =	simm.s32 $0x100  }
0x21: {  	[tilespmem:s20], [sflag:$0x4] =	stream.linear.gather [hbm4b:s9+s7], $0x20, $0x38;
	[tilespmem:$0x1FF20] =	vst v63  }
0x22: {  	s21 =	simm.s32 $0x1E280;
	s9 =	rddreg [dreg:$0x11]  }
0x23: {  	[tilespmem:s21], [sflag:$0x4] =	stream.linear.gather [hbm4b:s9+s7], $0xC40, $0x38;
	[tilespmem:$0x1FF20] =	vst v63  }
0x24: {  	s9 =	rddreg [dreg:$0xd];
	s21 =	simm.s32 $0x1EF00  }
0x25: {  	[tilespmem:s21], [sflag:$0x4] =	stream.linear.gather [hbm4b:s9+s7], $0xC30, $0x38;
	[tilespmem:$0x1FF20] =	vst v63  }
0x26: {  	_ =	swait.ge [sflag:s26], $0x20  }
0x27: {  	[sflag:s26] =	ssyncset.done $0x0  }
0x28: {  	[sflag:s26] =	ssyncadd.s32 $0xFFFFFFE0  }
0x29: {  	_ =	swait.ge [sflag:s26], $0x20  }
0x2a: {  	[sflag:s26] =	ssyncset.done $0x0  }
0x2b: {  	[sflag:s26] =	ssyncadd.s32 $0xFFFFFFE0  }
0x2c: {  	_ =	swait.ge [sflag:s26], $0x20  }
0x2d: {  	[sflag:s26] =	ssyncset.done $0x0  }
0x2e: {  	[sflag:s26] =	ssyncadd.s32 $0xFFFFFFE0  }
0x2f: {  	s21 =	simm.s32 $0x20;
	s9 =	simm.s32 $0x180;
	s19 =	rddreg [dreg:$0x6]  }
0x30: {  	[tilespmem:s9], [sflag:$0x3] =	stream.indirect.gather [hbm4b:s19+s21], $0x1, s7, s21, $0xb8;
	[tilespmem:$0x1FF20] =	vst v63  }
0x31: {  	s9 =	simm.s32 $0x200  }
0x32: {  	[tilespmem:s9], [sflag:$0x3] =	stream.indirect.gather [hbm4b:s19+s21], $0x1, s20, s21, $0xb8;
	[tilespmem:$0x1FF20] =	vst v63  }
0x33: {  	v9 =	vld [tilespmem:$0x0];
	_ =	sdelay $0x4  }
0x34: {  	v10 =	vshrl.u32 v9, $0x3  }
0x35: {  	v10 =	vmul.u32 $0x30, v10  }
0x36: {  	v9 =	vand.u32 $0x7, v9  }
0x37: {  	v9 =	vor.u32 v9, v10  }
0x38: {  	v10 =	vperm.xlane v9, v1;
	_ =	sdelay $0x1  }
0x39: {  	v10 =	vadd.s32 v2, v10;
	_ =	sdelay $0x3  }
0x3a: {  	v9 =	vperm.xlane v9, v4  }
0x3b: {  	[tilespmem:s31], [sflag:$0x1] =	stream.indirect_vreg.gather [hbm4b:s1+s7], $0x80, v10, vm0, $0xb8;
	[tilespmem:$0x1FF20] =	vst v63  }
0x3c: {  	s19 =	simm.s32 $0xA80;
	v9 =	vadd.s32 v2, v9  }
0x3d: {  	[tilespmem:s19], [sflag:$0x1] =	stream.indirect_vreg.gather [hbm4b:s13+s7], $0x80, v10, vm0, $0xb8;
	[tilespmem:$0x1FF20] =	vst v63  }
0x3e: {  	s20 =	simm.s32 $0x1280  }
0x3f: {  	[tilespmem:s20], [sflag:$0x1] =	stream.indirect_vreg.gather [hbm4b:s14+s7], $0x80, v10, vm0, $0xb8;
	[tilespmem:$0x1FF20] =	vst v63  }
0x40: {  	s21 =	simm.s32 $0x1A80  }
0x41: {  	[tilespmem:s21], [sflag:$0x1] =	stream.indirect_vreg.gather [hbm4b:s1+s7], $0x80, v9, vm0, $0xb8;
	[tilespmem:$0x1FF20] =	vst v63  }
0x42: {  	s19 =	simm.s32 $0x2280  }
0x43: {  	[tilespmem:s19], [sflag:$0x1] =	stream.indirect_vreg.gather [hbm4b:s13+s7], $0x80, v9, vm0, $0xb8;
	[tilespmem:$0x1FF20] =	vst v63  }
0x44: {  	s20 =	simm.s32 $0x2A80  }
0x45: {  	[tilespmem:s20], [sflag:$0x1] =	stream.indirect_vreg.gather [hbm4b:s14+s7], $0x80, v9, vm0, $0xb8;
	[tilespmem:$0x1FF20] =	vst v63  }
0x46: {  	v9 =	vld [tilespmem:$0x0];
	_ =	sdelay $0x4  }
0x47: {  	v10 =	vshrl.u32 v9, $0x3  }
0x48: {  	v10 =	vmul.u32 $0x30, v10  }
0x49: {  	v9 =	vand.u32 $0x7, v9  }
0x4a: {  	v9 =	vor.u32 v9, v10  }
0x4b: {  	v10 =	vperm.xlane v9, v1;
	_ =	sdelay $0x1  }
0x4c: {  	v10 =	vadd.s32 v2, v10;
	_ =	sdelay $0x3  }
0x4d: {  	v9 =	vperm.xlane v9, v4  }
0x4e: {  	[tilespmem:s25], [sflag:$0x1] =	stream.indirect_vreg.gather [hbm4b:s2+s7], $0x80, v10, vm0, $0xb8;
	[tilespmem:$0x1FF20] =	vst v63  }
0x4f: {  	s21 =	simm.s32 $0x3A80;
	v9 =	vadd.s32 v2, v9  }
0x50: {  	[tilespmem:s21], [sflag:$0x1] =	stream.indirect_vreg.gather [hbm4b:s15+s7], $0x80, v10, vm0, $0xb8;
	[tilespmem:$0x1FF20] =	vst v63  }
0x51: {  	s19 =	simm.s32 $0x4280  }
0x52: {  	[tilespmem:s19], [sflag:$0x1] =	stream.indirect_vreg.gather [hbm4b:s16+s7], $0x80, v10, vm0, $0xb8;
	[tilespmem:$0x1FF20] =	vst v63  }
0x53: {  	s20 =	simm.s32 $0x4A80  }
0x54: {  	[tilespmem:s20], [sflag:$0x1] =	stream.indirect_vreg.gather [hbm4b:s2+s7], $0x80, v9, vm0, $0xb8;
	[tilespmem:$0x1FF20] =	vst v63  }
0x55: {  	s21 =	simm.s32 $0x5280  }
0x56: {  	[tilespmem:s21], [sflag:$0x1] =	stream.indirect_vreg.gather [hbm4b:s15+s7], $0x80, v9, vm0, $0xb8;
	[tilespmem:$0x1FF20] =	vst v63  }
0x57: {  	s19 =	simm.s32 $0x5A80  }
0x58: {  	[tilespmem:s19], [sflag:$0x1] =	stream.indirect_vreg.gather [hbm4b:s16+s7], $0x80, v9, vm0, $0xb8;
	[tilespmem:$0x1FF20] =	vst v63  }
0x59: {  	v9 =	vld [tilespmem:$0x100];
	_ =	sdelay $0x4  }
0x5a: {  	v10 =	vshrl.u32 v9, $0x3  }
0x5b: {  	v10 =	vmul.u32 $0x30, v10  }
0x5c: {  	v9 =	vand.u32 $0x7, v9  }
0x5d: {  	v9 =	vor.u32 v9, v10  }
0x5e: {  	v10 =	vperm.xlane v9, v1;
	_ =	sdelay $0x1  }
0x5f: {  	v10 =	vadd.s32 v2, v10;
	_ =	sdelay $0x3  }
0x60: {  	v9 =	vperm.xlane v9, v4  }
0x61: {  	[tilespmem:s6], [sflag:$0x1] =	stream.indirect_vreg.gather [hbm4b:s1+s7], $0x80, v10, vm0, $0xb8;
	[tilespmem:$0x1FF20] =	vst v63  }
0x62: {  	s20 =	simm.s32 $0x6A80;
	v9 =	vadd.s32 v2, v9  }
0x63: {  	[tilespmem:s20], [sflag:$0x1] =	stream.indirect_vreg.gather [hbm4b:s13+s7], $0x80, v10, vm0, $0xb8;
	[tilespmem:$0x1FF20] =	vst v63  }
0x64: {  	s21 =	simm.s32 $0x7280  }
0x65: {  	[tilespmem:s21], [sflag:$0x1] =	stream.indirect_vreg.gather [hbm4b:s14+s7], $0x80, v10, vm0, $0xb8;
	[tilespmem:$0x1FF20] =	vst v63  }
0x66: {  	s19 =	simm.s32 $0x7A80  }
0x67: {  	[tilespmem:s19], [sflag:$0x1] =	stream.indirect_vreg.gather [hbm4b:s1+s7], $0x80, v9, vm0, $0xb8;
	[tilespmem:$0x1FF20] =	vst v63  }
0x68: {  	s20 =	simm.s32 $0x8280  }
0x69: {  	[tilespmem:s20], [sflag:$0x1] =	stream.indirect_vreg.gather [hbm4b:s13+s7], $0x80, v9, vm0, $0xb8;
	[tilespmem:$0x1FF20] =	vst v63  }
0x6a: {  	s21 =	simm.s32 $0x8A80  }
0x6b: {  	[tilespmem:s21], [sflag:$0x1] =	stream.indirect_vreg.gather [hbm4b:s14+s7], $0x80, v9, vm0, $0xb8;
	[tilespmem:$0x1FF20] =	vst v63  }
0x6c: {  	v9 =	vld [tilespmem:$0x100];
	_ =	sdelay $0x4  }
0x6d: {  	v10 =	vshrl.u32 v9, $0x3  }
0x6e: {  	v10 =	vmul.u32 $0x30, v10  }
0x6f: {  	v9 =	vand.u32 $0x7, v9  }
0x70: {  	v9 =	vor.u32 v9, v10  }
0x71: {  	v10 =	vperm.xlane v9, v1;
	_ =	sdelay $0x1  }
0x72: {  	v10 =	vadd.s32 v2, v10;
	_ =	sdelay $0x3  }
0x73: {  	v9 =	vperm.xlane v9, v4  }
0x74: {  	[tilespmem:s22], [sflag:$0x1] =	stream.indirect_vreg.gather [hbm4b:s2+s7], $0x80, v10, vm0, $0xb8;
	[tilespmem:$0x1FF20] =	vst v63  }
0x75: {  	s19 =	simm.s32 $0x9A80;
	v9 =	vadd.s32 v2, v9  }
0x76: {  	[tilespmem:s19], [sflag:$0x1] =	stream.indirect_vreg.gather [hbm4b:s15+s7], $0x80, v10, vm0, $0xb8;
	[tilespmem:$0x1FF20] =	vst v63  }
0x77: {  	s20 =	simm.s32 $0xA280  }
0x78: {  	[tilespmem:s20], [sflag:$0x1] =	stream.indirect_vreg.gather [hbm4b:s16+s7], $0x80, v10, vm0, $0xb8;
	[tilespmem:$0x1FF20] =	vst v63  }
0x79: {  	s21 =	simm.s32 $0xAA80  }
0x7a: {  	[tilespmem:s21], [sflag:$0x1] =	stream.indirect_vreg.gather [hbm4b:s2+s7], $0x80, v9, vm0, $0xb8;
	[tilespmem:$0x1FF20] =	vst v63  }
0x7b: {  	s19 =	simm.s32 $0xB280  }
0x7c: {  	[tilespmem:s19], [sflag:$0x1] =	stream.indirect_vreg.gather [hbm4b:s15+s7], $0x80, v9, vm0, $0xb8;
	[tilespmem:$0x1FF20] =	vst v63  }
0x7d: {  	s20 =	simm.s32 $0xBA80  }
0x7e: {  	[tilespmem:s20], [sflag:$0x1] =	stream.indirect_vreg.gather [hbm4b:s16+s7], $0x80, v9, vm0, $0xb8;
	[tilespmem:$0x1FF20] =	vst v63  }
0x7f: {  	v9 =	vld [tilespmem:$0x80];
	_ =	sdelay $0x4  }
0x80: {  	v10 =	vshrl.u32 v9, $0x3  }
0x81: {  	v10 =	vmul.u32 $0x30, v10  }
0x82: {  	v9 =	vand.u32 $0x7, v9  }
0x83: {  	v9 =	vor.u32 v9, v10  }
0x84: {  	v10 =	vperm.xlane v9, v1;
	_ =	sdelay $0x1  }
0x85: {  	v10 =	vadd.s32 v2, v10;
	_ =	sdelay $0x3  }
0x86: {  	v9 =	vperm.xlane v9, v4  }
0x87: {  	[tilespmem:s24], [sflag:$0x1] =	stream.indirect_vreg.gather [hbm4b:s3+s7], $0x80, v10, vm0, $0xb8;
	[tilespmem:$0x1FF20] =	vst v63  }
0x88: {  	s21 =	simm.s32 $0xCA80;
	v9 =	vadd.s32 v2, v9  }
0x89: {  	[tilespmem:s21], [sflag:$0x1] =	stream.indirect_vreg.gather [hbm4b:s17+s7], $0x80, v10, vm0, $0xb8;
	[tilespmem:$0x1FF20] =	vst v63  }
0x8a: {  	s19 =	simm.s32 $0xD280  }
0x8b: {  	[tilespmem:s19], [sflag:$0x1] =	stream.indirect_vreg.gather [hbm4b:s18+s7], $0x80, v10, vm0, $0xb8;
	[tilespmem:$0x1FF20] =	vst v63  }
0x8c: {  	s20 =	simm.s32 $0xDA80  }
0x8d: {  	[tilespmem:s20], [sflag:$0x1] =	stream.indirect_vreg.gather [hbm4b:s3+s7], $0x80, v9, vm0, $0xb8;
	[tilespmem:$0x1FF20] =	vst v63  }
0x8e: {  	s21 =	simm.s32 $0xE280  }
0x8f: {  	[tilespmem:s21], [sflag:$0x1] =	stream.indirect_vreg.gather [hbm4b:s17+s7], $0x80, v9, vm0, $0xb8;
	[tilespmem:$0x1FF20] =	vst v63  }
0x90: {  	s19 =	simm.s32 $0xEA80  }
0x91: {  	[tilespmem:s19], [sflag:$0x1] =	stream.indirect_vreg.gather [hbm4b:s18+s7], $0x80, v9, vm0, $0xb8;
	[tilespmem:$0x1FF20] =	vst v63  }
0x92: {  	v9 =	vld [tilespmem:$0x10];
	_ =	sdelay $0x4  }
0x93: {  	v10 =	vshrl.u32 v9, $0x3  }
0x94: {  	v10 =	vmul.u32 $0x30, v10  }
0x95: {  	v9 =	vand.u32 $0x7, v9  }
0x96: {  	v9 =	vor.u32 v9, v10  }
0x97: {  	v10 =	vperm.xlane v9, v1;
	_ =	sdelay $0x1  }
0x98: {  	v10 =	vadd.s32 v2, v10;
	_ =	sdelay $0x3  }
0x99: {  	v9 =	vperm.xlane v9, v4  }
0x9a: {  	[tilespmem:s30], [sflag:$0x2] =	stream.indirect_vreg.gather [hbm4b:s1+s7], $0x80, v10, vm0, $0xb8;
	[tilespmem:$0x1FF20] =	vst v63  }
0x9b: {  	s20 =	simm.s32 $0xFA80;
	v9 =	vadd.s32 v2, v9  }
0x9c: {  	[tilespmem:s20], [sflag:$0x2] =	stream.indirect_vreg.gather [hbm4b:s13+s7], $0x80, v10, vm0, $0xb8;
	[tilespmem:$0x1FF20] =	vst v63  }
0x9d: {  	s21 =	simm.s32 $0x10280  }
0x9e: {  	[tilespmem:s21], [sflag:$0x2] =	stream.indirect_vreg.gather [hbm4b:s14+s7], $0x80, v10, vm0, $0xb8;
	[tilespmem:$0x1FF20] =	vst v63  }
0x9f: {  	s19 =	simm.s32 $0x10A80  }
0xa0: {  	[tilespmem:s19], [sflag:$0x2] =	stream.indirect_vreg.gather [hbm4b:s1+s7], $0x80, v9, vm0, $0xb8;
	[tilespmem:$0x1FF20] =	vst v63  }
0xa1: {  	s20 =	simm.s32 $0x11280  }
0xa2: {  	[tilespmem:s20], [sflag:$0x2] =	stream.indirect_vreg.gather [hbm4b:s13+s7], $0x80, v9, vm0, $0xb8;
	[tilespmem:$0x1FF20] =	vst v63  }
0xa3: {  	s21 =	simm.s32 $0x11A80  }
0xa4: {  	[tilespmem:s21], [sflag:$0x2] =	stream.indirect_vreg.gather [hbm4b:s14+s7], $0x80, v9, vm0, $0xb8;
	[tilespmem:$0x1FF20] =	vst v63  }
0xa5: {  	v9 =	vld [tilespmem:$0x10];
	_ =	sdelay $0x4  }
0xa6: {  	v10 =	vshrl.u32 v9, $0x3  }
0xa7: {  	v10 =	vmul.u32 $0x30, v10  }
0xa8: {  	v9 =	vand.u32 $0x7, v9  }
0xa9: {  	v9 =	vor.u32 v9, v10  }
0xaa: {  	v10 =	vperm.xlane v9, v1;
	_ =	sdelay $0x1  }
0xab: {  	v10 =	vadd.s32 v2, v10;
	_ =	sdelay $0x3  }
0xac: {  	v9 =	vperm.xlane v9, v4  }
0xad: {  	[tilespmem:s29], [sflag:$0x2] =	stream.indirect_vreg.gather [hbm4b:s2+s7], $0x80, v10, vm0, $0xb8;
	[tilespmem:$0x1FF20] =	vst v63  }
0xae: {  	s19 =	simm.s32 $0x12A80;
	v9 =	vadd.s32 v2, v9  }
0xaf: {  	[tilespmem:s19], [sflag:$0x2] =	stream.indirect_vreg.gather [hbm4b:s15+s7], $0x80, v10, vm0, $0xb8;
	[tilespmem:$0x1FF20] =	vst v63  }
0xb0: {  	s20 =	simm.s32 $0x13280  }
0xb1: {  	[tilespmem:s20], [sflag:$0x2] =	stream.indirect_vreg.gather [hbm4b:s16+s7], $0x80, v10, vm0, $0xb8;
	[tilespmem:$0x1FF20] =	vst v63  }
0xb2: {  	s21 =	simm.s32 $0x13A80  }
0xb3: {  	[tilespmem:s21], [sflag:$0x2] =	stream.indirect_vreg.gather [hbm4b:s2+s7], $0x80, v9, vm0, $0xb8;
	[tilespmem:$0x1FF20] =	vst v63  }
0xb4: {  	s19 =	simm.s32 $0x14280  }
0xb5: {  	[tilespmem:s19], [sflag:$0x2] =	stream.indirect_vreg.gather [hbm4b:s15+s7], $0x80, v9, vm0, $0xb8;
	[tilespmem:$0x1FF20] =	vst v63  }
0xb6: {  	s20 =	simm.s32 $0x14A80  }
0xb7: {  	[tilespmem:s20], [sflag:$0x2] =	stream.indirect_vreg.gather [hbm4b:s16+s7], $0x80, v9, vm0, $0xb8;
	[tilespmem:$0x1FF20] =	vst v63  }
0xb8: {  	v9 =	vld [tilespmem:$0x110];
	_ =	sdelay $0x4  }
0xb9: {  	v10 =	vshrl.u32 v9, $0x3  }
0xba: {  	v10 =	vmul.u32 $0x30, v10  }
0xbb: {  	v9 =	vand.u32 $0x7, v9  }
0xbc: {  	v9 =	vor.u32 v9, v10  }
0xbd: {  	v10 =	vperm.xlane v9, v1;
	_ =	sdelay $0x1  }
0xbe: {  	v10 =	vadd.s32 v2, v10;
	_ =	sdelay $0x3  }
0xbf: {  	v9 =	vperm.xlane v9, v4  }
0xc0: {  	[tilespmem:s5], [sflag:$0x2] =	stream.indirect_vreg.gather [hbm4b:s1+s7], $0x80, v10, vm0, $0xb8;
	[tilespmem:$0x1FF20] =	vst v63  }
0xc1: {  	s21 =	simm.s32 $0x15A80;
	v9 =	vadd.s32 v2, v9  }
0xc2: {  	[tilespmem:s21], [sflag:$0x2] =	stream.indirect_vreg.gather [hbm4b:s13+s7], $0x80, v10, vm0, $0xb8;
	[tilespmem:$0x1FF20] =	vst v63  }
0xc3: {  	s19 =	simm.s32 $0x16280  }
0xc4: {  	[tilespmem:s19], [sflag:$0x2] =	stream.indirect_vreg.gather [hbm4b:s14+s7], $0x80, v10, vm0, $0xb8;
	[tilespmem:$0x1FF20] =	vst v63  }
0xc5: {  	s20 =	simm.s32 $0x16A80  }
0xc6: {  	[tilespmem:s20], [sflag:$0x2] =	stream.indirect_vreg.gather [hbm4b:s1+s7], $0x80, v9, vm0, $0xb8;
	[tilespmem:$0x1FF20] =	vst v63  }
0xc7: {  	s21 =	simm.s32 $0x17280  }
0xc8: {  	[tilespmem:s21], [sflag:$0x2] =	stream.indirect_vreg.gather [hbm4b:s13+s7], $0x80, v9, vm0, $0xb8;
	[tilespmem:$0x1FF20] =	vst v63  }
0xc9: {  	s19 =	simm.s32 $0x17A80  }
0xca: {  	[tilespmem:s19], [sflag:$0x2] =	stream.indirect_vreg.gather [hbm4b:s14+s7], $0x80, v9, vm0, $0xb8;
	[tilespmem:$0x1FF20] =	vst v63  }
0xcb: {  	v9 =	vld [tilespmem:$0x110];
	_ =	sdelay $0x4  }
0xcc: {  	v10 =	vshrl.u32 v9, $0x3  }
0xcd: {  	v10 =	vmul.u32 $0x30, v10  }
0xce: {  	v9 =	vand.u32 $0x7, v9  }
0xcf: {  	v9 =	vor.u32 v9, v10  }
0xd0: {  	v10 =	vperm.xlane v9, v1;
	_ =	sdelay $0x1  }
0xd1: {  	v10 =	vadd.s32 v2, v10;
	_ =	sdelay $0x3  }
0xd2: {  	v9 =	vperm.xlane v9, v4  }
0xd3: {  	[tilespmem:s0], [sflag:$0x2] =	stream.indirect_vreg.gather [hbm4b:s2+s7], $0x80, v10, vm0, $0xb8;
	[tilespmem:$0x1FF20] =	vst v63  }
0xd4: {  	s20 =	simm.s32 $0x18A80;
	v9 =	vadd.s32 v2, v9  }
0xd5: {  	[tilespmem:s20], [sflag:$0x2] =	stream.indirect_vreg.gather [hbm4b:s15+s7], $0x80, v10, vm0, $0xb8;
	[tilespmem:$0x1FF20] =	vst v63  }
0xd6: {  	s21 =	simm.s32 $0x19280  }
0xd7: {  	[tilespmem:s21], [sflag:$0x2] =	stream.indirect_vreg.gather [hbm4b:s16+s7], $0x80, v10, vm0, $0xb8;
	[tilespmem:$0x1FF20] =	vst v63  }
0xd8: {  	s19 =	simm.s32 $0x19A80  }
0xd9: {  	[tilespmem:s19], [sflag:$0x2] =	stream.indirect_vreg.gather [hbm4b:s2+s7], $0x80, v9, vm0, $0xb8;
	[tilespmem:$0x1FF20] =	vst v63  }
0xda: {  	s20 =	simm.s32 $0x1A280  }
0xdb: {  	[tilespmem:s20], [sflag:$0x2] =	stream.indirect_vreg.gather [hbm4b:s15+s7], $0x80, v9, vm0, $0xb8;
	[tilespmem:$0x1FF20] =	vst v63  }
0xdc: {  	s21 =	simm.s32 $0x1AA80  }
0xdd: {  	[tilespmem:s21], [sflag:$0x2] =	stream.indirect_vreg.gather [hbm4b:s16+s7], $0x80, v9, vm0, $0xb8;
	[tilespmem:$0x1FF20] =	vst v63  }
0xde: {  	v9 =	vld [tilespmem:$0x90];
	_ =	sdelay $0x4  }
0xdf: {  	v10 =	vshrl.u32 v9, $0x3  }
0xe0: {  	v10 =	vmul.u32 $0x30, v10  }
0xe1: {  	v9 =	vand.u32 $0x7, v9  }
0xe2: {  	v9 =	vor.u32 v9, v10  }
0xe3: {  	v10 =	vperm.xlane v9, v1;
	_ =	sdelay $0x1  }
0xe4: {  	v10 =	vadd.s32 v2, v10;
	_ =	sdelay $0x3  }
0xe5: {  	v9 =	vperm.xlane v9, v4  }
0xe6: {  	[tilespmem:s4], [sflag:$0x2] =	stream.indirect_vreg.gather [hbm4b:s3+s7], $0x80, v10, vm0, $0xb8;
	[tilespmem:$0x1FF20] =	vst v63  }
0xe7: {  	s19 =	simm.s32 $0x1BA80;
	v9 =	vadd.s32 v2, v9  }
0xe8: {  	[tilespmem:s19], [sflag:$0x2] =	stream.indirect_vreg.gather [hbm4b:s17+s7], $0x80, v10, vm0, $0xb8;
	[tilespmem:$0x1FF20] =	vst v63  }
0xe9: {  	s20 =	simm.s32 $0x1C280  }
0xea: {  	[tilespmem:s20], [sflag:$0x2] =	stream.indirect_vreg.gather [hbm4b:s18+s7], $0x80, v10, vm0, $0xb8;
	[tilespmem:$0x1FF20] =	vst v63  }
0xeb: {  	s21 =	simm.s32 $0x1CA80  }
0xec: {  	[tilespmem:s21], [sflag:$0x2] =	stream.indirect_vreg.gather [hbm4b:s3+s7], $0x80, v9, vm0, $0xb8;
	[tilespmem:$0x1FF20] =	vst v63  }
0xed: {  	s19 =	simm.s32 $0x1D280  }
0xee: {  	[tilespmem:s19], [sflag:$0x2] =	stream.indirect_vreg.gather [hbm4b:s17+s7], $0x80, v9, vm0, $0xb8;
	[tilespmem:$0x1FF20] =	vst v63  }
0xef: {  	s20 =	simm.s32 $0x1DA80  }
0xf0: {  	[tilespmem:s20], [sflag:$0x2] =	stream.indirect_vreg.gather [hbm4b:s18+s7], $0x80, v9, vm0, $0xb8;
	[tilespmem:$0x1FF20] =	vst v63  }
0xf1: {  	_ =	swait.ge [sflag:s26], $0xC40  }
0xf2: {  	[sflag:s26] =	ssyncset.done $0x0  }
0xf3: {  	[sflag:s26] =	ssyncadd.s32 $0xFFFFF3C0  }
0xf4: {  	_ =	swait.ge [sflag:s26], $0xC30  }
0xf5: {  	[sflag:s26] =	ssyncset.done $0x0  }
0xf6: {  	[sflag:s26] =	ssyncadd.s32 $0xFFFFF3D0  }
0xf7: {  	s21 =	simm.s32 $0x1E290;
	v11 =	vld [tilespmem:$0x1E280]  }
0xf8: {  	v12 =	vld [tilespmem:s21+$0xFFFFFFF0];
	_ =	sdelay $0x1  }
0xf9: {  	v9 =	vld [tilespmem:s21+$0x0];
	_ =	sdelay $0x2  }
0xfa: {  	s20 =	simm.s32 $0x2;
	s21 =	simm.s32 $0x1E2B0;
	v10 =	vmin.f32 v11, v12;
	v11 =	vmax.f32 v11, v12  }
.LBB2_2:
0xfb: {  	s20 =	sadd.s32 $0x2, s20  }
0xfc: {  	v12 =	vld [tilespmem:s21+$0xFFFFFFF0];
	v10 =	vmin.f32 v10, v9;
	v11 =	vmax.f32 v11, v9;
	s19 =	simm.s32 $0x1EF10;
	p0 =	slt.u32 s20, $0xC2  }
.Ltmp0:
0xfd: {  	v9 =	vld [tilespmem:s21+$0x0];
	(pc) =	sbr.rel @p0 .LBB2_2-.Ltmp0, $2  }
0xfe: {  	_ =	sdelay $0x2  }
0xff: {  	s21 =	sadd.s32 $0x20, s21;
	v10 =	vmin.f32 v10, v12;
	v11 =	vmax.f32 v11, v12  }
0x100: {  	v12 =	vld [tilespmem:s21+$0xFFFFFFF0]  }
0x101: {  	v13 =	vld [tilespmem:s21+$0x0];
	_ =	sdelay $0x2  }
0x102: {  	v14 =	vld [tilespmem:s19+$0xFFFFFFF0];
	v10 =	vmin.f32 v10, v9;
	v9 =	vmax.f32 v11, v9  }
0x103: {  	v9 =	vmax.f32 v9, v12  }
0x104: {  	v11 =	vmax.f32 v9, v13;
	v9 =	vld [tilespmem:s19+$0x0]  }
0x105: {  	v10 =	vmin.f32 v10, v12  }
0x106: {  	v10 =	vmin.f32 v10, v13  }
0x107: {  	s20 =	simm.s32 $0x2;
	s19 =	simm.s32 $0x1EF30;
	v10 =	vmin.f32 v10, v14;
	v11 =	vmax.f32 v11, v14  }
.LBB2_4:
0x108: {  	s20 =	sadd.s32 $0x2, s20  }
0x109: {  	v12 =	vld [tilespmem:s19+$0xFFFFFFF0];
	v10 =	vmin.f32 v10, v9;
	v11 =	vmax.f32 v11, v9;
	p0 =	slt.u32 s20, $0xC0  }
.Ltmp1:
0x10a: {  	v9 =	vld [tilespmem:s19+$0x0];
	(pc) =	sbr.rel @p0 .LBB2_4-.Ltmp1, $2  }
0x10b: {  	_ =	sdelay $0x2  }
0x10c: {  	s19 =	sadd.s32 $0x20, s19;
	v10 =	vmin.f32 v10, v12;
	v11 =	vmax.f32 v11, v12  }
0x10d: {  	v12 =	vld [tilespmem:s19+$0xFFFFFFF0]  }
0x10e: {  	v13 =	vld [tilespmem:s19+$0x0]  }
0x10f: {  	v14 =	vld [tilespmem:$0x1FB20];
	_ =	sdelay $0x1  }
0x110: {  	v10 =	vmin.f32 v10, v9  }
0x111: {  	v9 =	vmax.f32 v11, v9;
	v10 =	vmin.f32 v10, v12  }
0x112: {  	v9 =	vmax.f32 v9, v12;
	v10 =	vmin.f32 v10, v13  }
0x113: {  	v9 =	vmax.f32 v9, v13;
	v10 =	vmin.f32 v10, v14  }
0x114: {  	v9 =	vmax.f32 v9, v14;
	[tilespmem:$0x1FB80] =	vst v10  }
0x115: {  	s21 =	rddreg [dreg:$0xe];
	s9 =	simm.s32 $0x1FB80;
	[tilespmem:$0x1FB90] =	vst v9  }
0x116: {  	[spmem:s21] =	stream.linear.scatter [tilespmem:s9], [sflag:$0x5], $0x20, $0x38;
	[tilespmem:$0x1FF20] =	vst v63  }
0x117: {  	_ =	swait.ge [sflag:s23], $0x20  }
0x118: {  	[sflag:s23] =	ssyncset.done $0x0  }
0x119: {  	[sflag:s23] =	ssyncadd.s32 $0xFFFFFFE0  }
0x11a: {  	[bflag:$0x0] =	sbarrier.arrive $0xFFFF  }
0x11b: {  	s21 =	simm.s32 $0x1FC00;
	s20 =	rddreg [dreg:$0x8]  }
0x11c: {  	[tilespmem:s21], [sflag:$0x5] =	stream.linear.gather [spmem:s20], $0x200, $0x38;
	[tilespmem:$0x1FF20] =	vst v63  }
0x11d: {  	_ =	swait.ge [sflag:s23], $0x200  }
0x11e: {  	[sflag:s23] =	ssyncset.done $0x0  }
0x11f: {  	[sflag:s23] =	ssyncadd.s32 $0xFFFFFE00  }
0x120: {  	v11 =	vld [tilespmem:$0x1FC00]  }
0x121: {  	v12 =	vld [tilespmem:$0x1FC20]  }
0x122: {  	v13 =	vld [tilespmem:$0x1FC40]  }
0x123: {  	v14 =	vld [tilespmem:$0x1FC60]  }
0x124: {  	v15 =	vld [tilespmem:$0x1FC80]  }
0x125: {  	v10 =	vmin.f32 v10, v11;
	v11 =	vld [tilespmem:$0x1FCA0]  }
0x126: {  	v10 =	vmin.f32 v10, v12;
	v12 =	vld [tilespmem:$0x1FCC0]  }
0x127: {  	v10 =	vmin.f32 v10, v13;
	v13 =	vld [tilespmem:$0x1FCE0]  }
0x128: {  	v10 =	vmin.f32 v10, v14;
	v14 =	vld [tilespmem:$0x1FD00]  }
0x129: {  	v10 =	vmin.f32 v10, v15;
	v15 =	vld [tilespmem:$0x1FD20]  }
0x12a: {  	v10 =	vmin.f32 v10, v11;
	v11 =	vld [tilespmem:$0x1FD40]  }
0x12b: {  	v10 =	vmin.f32 v10, v12;
	v12 =	vld [tilespmem:$0x1FD60]  }
0x12c: {  	v10 =	vmin.f32 v10, v13;
	v13 =	vld [tilespmem:$0x1FD80]  }
0x12d: {  	v10 =	vmin.f32 v10, v14;
	v14 =	vld [tilespmem:$0x1FDA0]  }
0x12e: {  	v10 =	vmin.f32 v10, v15;
	v15 =	vld [tilespmem:$0x1FDC0]  }
0x12f: {  	v10 =	vmin.f32 v10, v11;
	v11 =	vld [tilespmem:$0x1FDE0]  }
0x130: {  	v10 =	vmin.f32 v10, v12  }
0x131: {  	v10 =	vmin.f32 v10, v13  }
0x132: {  	v10 =	vmin.f32 v10, v14  }
0x133: {  	v16 =	vld [tilespmem:$0x1FC90];
	v10 =	vmin.f32 v10, v15  }
0x134: {  	v12 =	vld [tilespmem:$0x1FC10];
	v10 =	vmin.f32 v10, v11  }
0x135: {  	v11 =	vld [tilespmem:$0x1FC30];
	[tilespmem:$0x1FE20] =	vst v10  }
0x136: {  	v13 =	vld.idx.msk [tilespmem:v5+s8+$0x0], $0xffff  }
0x137: {  	v14 =	vld [tilespmem:$0x1FC50]  }
0x138: {  	v15 =	vld [tilespmem:$0x1FC70]  }
0x139: {  	v17 =	vld [tilespmem:$0x1FCB0]  }
0x13a: {  	v18 =	vld [tilespmem:$0x1FCD0];
	v9 =	vmax.f32 v9, v12  }
0x13b: {  	v12 =	vld [tilespmem:$0x1FCF0];
	v9 =	vmax.f32 v9, v11;
	v10 =	vmin.f32 v10, v13  }
0x13c: {  	v9 =	vmax.f32 v9, v14;
	v13 =	vld [tilespmem:$0x1FD10];
	[tilespmem:$0x1FE20] =	vst v10  }
0x13d: {  	v9 =	vmax.f32 v9, v15;
	v11 =	vld.idx.msk [tilespmem:v6+s8+$0x0], $0xffff  }
0x13e: {  	v14 =	vld [tilespmem:$0x1FD30];
	v9 =	vmax.f32 v9, v16  }
0x13f: {  	v15 =	vld [tilespmem:$0x1FD50];
	v9 =	vmax.f32 v9, v17  }
0x140: {  	v16 =	vld [tilespmem:$0x1FD70];
	v9 =	vmax.f32 v9, v18  }
0x141: {  	v17 =	vld [tilespmem:$0x1FD90];
	v9 =	vmax.f32 v9, v12  }
0x142: {  	v9 =	vmax.f32 v9, v13;
	v13 =	vld [tilespmem:$0x1FDD0];
	v10 =	vmin.f32 v10, v11  }
0x143: {  	v11 =	vld [tilespmem:$0x1FDB0];
	[tilespmem:$0x1FE20] =	vst v10  }
0x144: {  	v9 =	vmax.f32 v9, v14;
	v12 =	vld.idx.msk [tilespmem:v7+s8+$0x0], $0xffff  }
0x145: {  	v14 =	vld [tilespmem:$0x1FDF0];
	v9 =	vmax.f32 v9, v15  }
0x146: {  	v9 =	vmax.f32 v9, v16  }
0x147: {  	v9 =	vmax.f32 v9, v17  }
0x148: {  	v9 =	vmax.f32 v9, v11  }
0x149: {  	v9 =	vmax.f32 v9, v13;
	v10 =	vmin.f32 v10, v12  }
0x14a: {  	v9 =	vmax.f32 v9, v14;
	[tilespmem:$0x1FE20] =	vst v10  }
0x14b: {  	v11 =	vld.idx.msk [tilespmem:v3+s8+$0x0], $0xffff;
	[tilespmem:$0x1FE20] =	vst v9  }
0x14c: {  	v12 =	vld.idx.msk [tilespmem:v5+s8+$0x0], $0xffff;
	_ =	sdelay $0x4  }
0x14d: {  	v9 =	vmax.f32 v9, v12  }
0x14e: {  	[tilespmem:$0x1FE20] =	vst v9  }
0x14f: {  	v12 =	vld.idx.msk [tilespmem:v6+s8+$0x0], $0xffff;
	_ =	sdelay $0x4  }
0x150: {  	v9 =	vmax.f32 v9, v12  }
0x151: {  	[tilespmem:$0x1FE20] =	vst v9  }
0x152: {  	v12 =	vld.idx.msk [tilespmem:v7+s8+$0x0], $0xffff;
	_ =	sdelay $0x4  }
0x153: {  	v9 =	vmax.f32 v9, v12  }
0x154: {  	[tilespmem:$0x1FE20] =	vst v9  }
0x155: {  	v12 =	vld.idx.msk [tilespmem:v3+s8+$0x0], $0xffff;
	_ =	sdelay $0x4  }
0x156: {  	v11 =	vmin.f32 v10, v11;
	v9 =	vmax.f32 v9, v12  }
0x157: {  	v9 =	vsub.f32 v9, v11;
	_ =	sdelay $0x1  }
0x158: {  	(erf) = vrcp.f32 v9;
	_ =	sdelay $0x8  }
0x159: {  	v10 =	vpop (erf)  }
0x15a: {  	_ =	swait.ge [sflag:s10], $0x20  }
0x15b: {  	[sflag:s10] =	ssyncset.done $0x0  }
0x15c: {  	[sflag:s10] =	ssyncadd.s32 $0xFFFFFFE0  }
0x15d: {  	_ =	swait.ge [sflag:s10], $0x20  }
0x15e: {  	[sflag:s10] =	ssyncset.done $0x0  }
0x15f: {  	[sflag:s10] =	ssyncadd.s32 $0xFFFFFFE0  }
0x160: {  	_ =	swait.ge [sflag:s11], $0x3000  }
0x161: {  	[sflag:s11] =	ssyncset.done $0x0  }
0x162: {  	[sflag:s11] =	ssyncadd.s32 $0xFFFFD000  }
0x163: {  	_ =	swait.ge [sflag:s11], $0x3000  }
0x164: {  	[sflag:s11] =	ssyncset.done $0x0  }
0x165: {  	[sflag:s11] =	ssyncadd.s32 $0xFFFFD000  }
0x166: {  	_ =	swait.ge [sflag:s11], $0x3000  }
0x167: {  	[sflag:s11] =	ssyncset.done $0x0  }
0x168: {  	[sflag:s11] =	ssyncadd.s32 $0xFFFFD000  }
0x169: {  	_ =	swait.ge [sflag:s11], $0x3000  }
0x16a: {  	[sflag:s11] =	ssyncset.done $0x0  }
0x16b: {  	[sflag:s11] =	ssyncadd.s32 $0xFFFFD000  }
0x16c: {  	_ =	swait.ge [sflag:s11], $0x3000  }
0x16d: {  	[sflag:s11] =	ssyncset.done $0x0  }
0x16e: {  	[sflag:s11] =	ssyncadd.s32 $0xFFFFD000  }
0x16f: {  	v9 =	vld [tilespmem:$0x180]  }
0x170: {  	v12 =	vld [tilespmem:$0x200];
	_ =	sdelay $0x3  }
0x171: {  	s9 =	simm.s32 $0x0;
	v13 =	vsub.f32 v9, v11  }
0x172: {  	v14 =	vadd.s32 s9, v0;
	v12 =	vsub.f32 v12, v11;
	v9 =	vor.u32 $0xFFFFFD00, v0  }
0x173: {  	s20 =	simm.s32 $0x1;
	vm1 =	vgt.u32 v14, $0x2FF;
	v15 =	vadd.s32 s9, v9;
	v13 =	vmul.f32 v13, v10  }
0x174: {  	v18 =	vadd.s32 s20, v9;
	v16 =	vmul.f32 v12, v10;
	v14 =	vsel vm1, v15, v14  }
0x175: {  	v12 =	vadd.s32 s20, v0;
	v17 =	vshll.u32 v14, $0x3;
	v15 =	vadd.f32 $1.000000000e+00, v13  }
0x176: {  	vm1 =	vgt.u32 v12, $0x2FF;
	v14 =	vand.u32 $0x7F, v14;
	v17 =	vand.u32 $0xFFFFFC00, v17  }
0x177: {  	v12 =	vsel vm1, v18, v12;
	v14 =	vor.u32 v14, v17;
	(erf) = vrcp.f32 v15  }
0x178: {  	v15 =	vshll.u32 v12, $0x3;
	v14 =	vadd.s32 v8, v14  }
0x179: {  	v12 =	vand.u32 $0x7F, v12;
	v15 =	vand.u32 $0xFFFFFC00, v15  }
0x17a: {  	v17 =	vadd.f32 $1.000000000e+00, v16;
	v12 =	vor.u32 v12, v15  }
0x17b: {  	v19 =	vadd.s32 v8, v12  }
0x17c: {  	s21 =	simm.s32 $0x2;
	(erf) = vrcp.f32 v17  }
0x17d: {  	s9 =	simm.s32 $0x3;
	v15 =	vadd.s32 s21, v0;
	v17 =	vld.idx.msk [tilespmem:v14+s31+$0x0], $0xffff  }
0x17e: {  	v21 =	vadd.s32 s21, v9;
	v18 =	vadd.s32 s9, v0;
	vm1 =	vgt.u32 v15, $0x2FF;
	v22 =	vld.idx.msk [tilespmem:v14+s25+$0x0], $0xffff  }
0x17f: {  	v23 =	vadd.s32 s9, v9;
	v21 =	vsel vm1, v21, v15;
	vm1 =	vgt.u32 v18, $0x2FF;
	v20 =	vld.idx.msk [tilespmem:v14+s22+$0x0], $0xffff  }
0x180: {  	v18 =	vsel vm1, v23, v18;
	v23 =	vld.idx.msk [tilespmem:v19+s25+$0x0], $0xffff;
	v12 =	vpop (erf)  }
0x181: {  	s21 =	simm.s32 $0x5;
	v24 =	vld.idx.msk [tilespmem:v19+s31+$0x0], $0xffff;
	v15 =	vmul.f32 v12, v13;
	v13 =	vshll.u32 v21, $0x3  }
0x182: {  	v31 =	vadd.s32 s21, v0;
	v26 =	vld.idx.msk [tilespmem:v14+s6+$0x0], $0xffff;
	v21 =	vand.u32 $0x7F, v21;
	v13 =	vand.u32 $0xFFFFFC00, v13  }
0x183: {  	v28 =	vld.idx.msk [tilespmem:v14+s24+$0x0], $0xffff;
	v14 =	vor.u32 v21, v13;
	v21 =	vmul.f32 v17, v12;
	v22 =	vmul.f32 v22, v15  }
0x184: {  	v25 =	vshll.u32 v18, $0x3;
	v27 =	vand.u32 $0x7F, v18;
	v29 =	vld.idx.msk [tilespmem:v19+s6+$0x0], $0xffff;
	v18 =	vadd.s32 v8, v14  }
0x185: {  	v25 =	vand.u32 $0xFFFFFC00, v25;
	v30 =	vld.idx.msk [tilespmem:v19+s24+$0x0], $0xffff;
	v23 =	vmul.f32 v23, v15;
	v13 =	vpop (erf);
	v21 =	vadd.f32 v22, v21  }
0x186: {  	s20 =	simm.s32 $0x4;
	v22 =	vmul.f32 v24, v12;
	v14 =	vmul.f32 v13, v16;
	v16 =	vor.u32 v27, v25  }
0x187: {  	v17 =	vimm.f32 $0.0e+00;
	v24 =	vadd.s32 s20, v0;
	v27 =	vld.idx.msk [tilespmem:v19+s22+$0x0], $0xffff;
	v19 =	vadd.s32 v8, v16  }
0x188: {  	v26 =	vmul.f32 v26, v13;
	v25 =	vadd.f32 v28, v21;
	v22 =	vadd.f32 v23, v22  }
0x189: {  	vm1 =	vgt.u32 v24, $0x2FF;
	v29 =	vmul.f32 v29, v13;
	v23 =	vadd.s32 s20, v9;
	v16 =	vld.idx.msk [tilespmem:v18+s22+$0x0], $0xffff  }
0x18a: {  	v28 =	vmul.f32 v20, v14;
	v21 =	vld.idx.msk [tilespmem:v18+s31+$0x0], $0xffff;
	v25 =	vsub.f32 v25, v26;
	v26 =	vadd.f32 v30, v22  }
0x18b: {  	v23 =	vsel vm1, v23, v24;
	vm1 =	vgt.u32 v31, $0x2FF;
	v30 =	vadd.s32 s21, v9;
	v22 =	vld.idx.msk [tilespmem:v18+s25+$0x0], $0xffff  }
0x18c: {  	v24 =	vsub.f32 v25, v28;
	v25 =	vsub.f32 v26, v29;
	v26 =	vmul.f32 v27, v14;
	v20 =	vld.idx.msk [tilespmem:v19+s31+$0x0], $0xffff  }
0x18d: {  	s19 =	simm.s32 $0x6;
	v27 =	vand.u32 $0x7F, v23;
	v29 =	vshll.u32 v23, $0x3;
	v28 =	vsel vm1, v30, v31;
	v23 =	vld.idx.msk [tilespmem:v19+s25+$0x0], $0xffff  }
.LBB2_6:
0x18e: {  	p0 =	slt.u32 s19, $0x2FE;
	v30 =	vshll.u32 v28, $0x3;
	v31 =	vld.idx.msk [tilespmem:v18+s6+$0x0], $0xffff;
	v24 =	vmul.f32 v24, v24;
	v25 =	vsub.f32 v25, v26  }
0x18f: {  	v26 =	vand.u32 $0xFFFFFC00, v29;
	v28 =	vand.u32 $0x7F, v28;
	v29 =	vand.u32 $0xFFFFFC00, v30;
	v30 =	vld.idx.msk [tilespmem:v18+s24+$0x0], $0xffff  }
0x190: {  	v18 =	vor.u32 v27, v26;
	v26 =	vld.idx.msk [tilespmem:v19+s6+$0x0], $0xffff;
	v17 =	vadd.f32 v24, v17;
	v24 =	vmul.f32 v25, v25  }
0x191: {  	v21 =	vmul.f32 v21, v12;
	v18 =	vadd.s32 v8, v18;
	v22 =	vmul.f32 v22, v15;
	v25 =	vld.idx.msk [tilespmem:v19+s24+$0x0], $0xffff  }
0x192: {  	v27 =	vadd.s32 s19, v0;
	v28 =	vor.u32 v28, v29;
	v17 =	vadd.f32 v24, v17  }
0x193: {  	s20 =	sadd.s32 $0x1, s19;
	v20 =	vmul.f32 v20, v12;
	v21 =	vadd.f32 v22, v21;
	v22 =	vmul.f32 v23, v15;
	v29 =	vld.idx.msk [tilespmem:v19+s22+$0x0], $0xffff  }
0x194: {  	v23 =	vadd.s32 s20, v0;
	v19 =	vadd.s32 v8, v28  }
0x195: {  	v28 =	vmul.f32 v31, v13;
	v24 =	vadd.f32 v30, v21;
	v20 =	vadd.f32 v22, v20  }
.Ltmp2:
0x196: {  	vm1 =	vgt.u32 v27, $0x2FF;
	v22 =	vadd.s32 s19, v9;
	v30 =	vmul.f32 v16, v14;
	v16 =	vld.idx.msk [tilespmem:v18+s22+$0x0], $0xffff;
	(pc) =	sbr.rel @p0 .LBB2_6-.Ltmp2, $4  }
0x197: {  	v26 =	vmul.f32 v26, v13;
	v24 =	vsub.f32 v24, v28;
	v25 =	vadd.f32 v25, v20;
	v21 =	vld.idx.msk [tilespmem:v18+s31+$0x0], $0xffff  }
0x198: {  	v31 =	vadd.s32 s20, v9;
	v28 =	vsel vm1, v22, v27;
	vm1 =	vgt.u32 v23, $0x2FF;
	v22 =	vld.idx.msk [tilespmem:v18+s25+$0x0], $0xffff  }
0x199: {  	v24 =	vsub.f32 v24, v30;
	v25 =	vsub.f32 v25, v26;
	v26 =	vmul.f32 v29, v14;
	v20 =	vld.idx.msk [tilespmem:v19+s31+$0x0], $0xffff  }
0x19a: {  	s19 =	sadd.s32 $0x2, s19;
	v27 =	vand.u32 $0x7F, v28;
	v29 =	vshll.u32 v28, $0x3;
	v28 =	vsel vm1, v31, v23;
	v23 =	vld.idx.msk [tilespmem:v19+s25+$0x0], $0xffff  }
0x19b: {  	_ =	sdelay $0x1  }
0x19c: {  	v29 =	vand.u32 $0xFFFFFC00, v29  }
0x19d: {  	v27 =	vor.u32 v27, v29  }
0x19e: {  	v30 =	vld.idx.msk [tilespmem:v18+s6+$0x0], $0xffff;
	v29 =	vshll.u32 v28, $0x3;
	v27 =	vadd.s32 v8, v27  }
0x19f: {  	v18 =	vld.idx.msk [tilespmem:v18+s24+$0x0], $0xffff;
	v28 =	vand.u32 $0x7F, v28;
	v29 =	vand.u32 $0xFFFFFC00, v29  }
0x1a0: {  	v31 =	vld.idx.msk [tilespmem:v19+s6+$0x0], $0xffff;
	v28 =	vor.u32 v28, v29  }
0x1a1: {  	v29 =	vld.idx.msk [tilespmem:v19+s24+$0x0], $0xffff;
	v28 =	vadd.s32 v8, v28  }
0x1a2: {  	v19 =	vld.idx.msk [tilespmem:v19+s22+$0x0], $0xffff  }
0x1a3: {  	v32 =	vld.idx.msk [tilespmem:v27+s22+$0x0], $0xffff  }
0x1a4: {  	v25 =	vsub.f32 v25, v26;
	v21 =	vmul.f32 v21, v12;
	v22 =	vmul.f32 v22, v15;
	v26 =	vld.idx.msk [tilespmem:v27+s31+$0x0], $0xffff  }
0x1a5: {  	v24 =	vmul.f32 v24, v24;
	v33 =	vld.idx.msk [tilespmem:v27+s25+$0x0], $0xffff  }
0x1a6: {  	v25 =	vmul.f32 v25, v25;
	v21 =	vadd.f32 v22, v21;
	v22 =	vld.idx.msk [tilespmem:v28+s31+$0x0], $0xffff  }
0x1a7: {  	v17 =	vadd.f32 v24, v17;
	v20 =	vmul.f32 v20, v12;
	v23 =	vmul.f32 v23, v15;
	v24 =	vld.idx.msk [tilespmem:v28+s25+$0x0], $0xffff  }
0x1a8: {  	v18 =	vadd.f32 v18, v21;
	v21 =	vmul.f32 v30, v13;
	v62 =	vld.idx.msk [tilespmem:v27+s6+$0x0], $0xffff  }
0x1a9: {  	v17 =	vadd.f32 v25, v17;
	v20 =	vadd.f32 v23, v20;
	v23 =	vld.idx.msk [tilespmem:v27+s24+$0x0], $0xffff  }
0x1aa: {  	v18 =	vsub.f32 v18, v21;
	v21 =	vld.idx.msk [tilespmem:v28+s6+$0x0], $0xffff;
	v25 =	vmul.f32 v26, v12;
	v26 =	vmul.f32 v33, v15  }
0x1ab: {  	v16 =	vmul.f32 v16, v14;
	v27 =	vmul.f32 v31, v13;
	v20 =	vadd.f32 v29, v20;
	v29 =	vld.idx.msk [tilespmem:v28+s24+$0x0], $0xffff  }
0x1ac: {  	v25 =	vadd.f32 v26, v25;
	v12 =	vmul.f32 v22, v12;
	v15 =	vmul.f32 v24, v15  }
0x1ad: {  	v19 =	vmul.f32 v19, v14;
	v16 =	vsub.f32 v18, v16;
	v18 =	vsub.f32 v20, v27;
	v20 =	vld.idx.msk [tilespmem:v28+s22+$0x0], $0xffff  }
0x1ae: {  	v22 =	vadd.f32 v23, v25;
	v23 =	vmul.f32 v62, v13;
	v12 =	vadd.f32 v15, v12  }
0x1af: {  	v15 =	vmul.f32 v16, v16;
	v16 =	vsub.f32 v18, v19;
	v18 =	vmul.f32 v32, v14  }
0x1b0: {  	v13 =	vmul.f32 v21, v13;
	v19 =	vsub.f32 v22, v23;
	v12 =	vadd.f32 v29, v12  }
0x1b1: {  	v15 =	vadd.f32 v15, v17;
	v16 =	vmul.f32 v16, v16  }
0x1b2: {  	v17 =	vsub.f32 v19, v18;
	v12 =	vsub.f32 v12, v13;
	v13 =	vmul.f32 v20, v14;
	_ =	sdelay $0x1  }
0x1b3: {  	v14 =	vadd.f32 v16, v15;
	v15 =	vmul.f32 v17, v17;
	v12 =	vsub.f32 v12, v13;
	_ =	sdelay $0x1  }
0x1b4: {  	v13 =	vadd.f32 v15, v14;
	v12 =	vmul.f32 v12, v12;
	_ =	sdelay $0x1  }
0x1b5: {  	v12 =	vadd.f32 v12, v13;
	_ =	sdelay $0x1  }
0x1b6: {  	v13 =	vshrl.u32 v12, $0x1;
	v14 =	vmul.f32 $5.000000000e-01, v12  }
0x1b7: {  	v13 =	vsub.s32 $0x5F3759DF, v13  }
0x1b8: {  	v15 =	vmul.f32 v13, v14;
	_ =	sdelay $0x1  }
0x1b9: {  	v15 =	vmul.f32 v13, v15;
	_ =	sdelay $0x1  }
0x1ba: {  	v15 =	vsub.f32 $1.500000000e+00, v15;
	_ =	sdelay $0x1  }
0x1bb: {  	v13 =	vmul.f32 v13, v15;
	_ =	sdelay $0x1  }
0x1bc: {  	v15 =	vmul.f32 v13, v14;
	_ =	sdelay $0x1  }
0x1bd: {  	v15 =	vmul.f32 v15, v13;
	_ =	sdelay $0x1  }
0x1be: {  	v15 =	vsub.f32 $1.500000000e+00, v15;
	_ =	sdelay $0x1  }
0x1bf: {  	v13 =	vmul.f32 v15, v13;
	_ =	sdelay $0x1  }
0x1c0: {  	v14 =	vmul.f32 v13, v14;
	_ =	sdelay $0x1  }
0x1c1: {  	v14 =	vmul.f32 v14, v13;
	_ =	sdelay $0x1  }
0x1c2: {  	v14 =	vsub.f32 $1.500000000e+00, v14;
	_ =	sdelay $0x1  }
0x1c3: {  	v13 =	vmul.f32 v14, v13;
	_ =	sdelay $0x1  }
0x1c4: {  	v12 =	vmul.f32 v13, v12;
	_ =	sdelay $0x1  }
0x1c5: {  	[tilespmem:$0x1FEA0] =	vst v12  }
0x1c6: {  	_ =	swait.ge [sflag:s12], $0x3000  }
0x1c7: {  	[sflag:s12] =	ssyncset.done $0x0  }
0x1c8: {  	[sflag:s12] =	ssyncadd.s32 $0xFFFFD000  }
0x1c9: {  	_ =	swait.ge [sflag:s12], $0x3000  }
0x1ca: {  	[sflag:s12] =	ssyncset.done $0x0  }
0x1cb: {  	[sflag:s12] =	ssyncadd.s32 $0xFFFFD000  }
0x1cc: {  	_ =	swait.ge [sflag:s12], $0x3000  }
0x1cd: {  	[sflag:s12] =	ssyncset.done $0x0  }
0x1ce: {  	[sflag:s12] =	ssyncadd.s32 $0xFFFFD000  }
0x1cf: {  	_ =	swait.ge [sflag:s12], $0x3000  }
0x1d0: {  	[sflag:s12] =	ssyncset.done $0x0  }
0x1d1: {  	[sflag:s12] =	ssyncadd.s32 $0xFFFFD000  }
0x1d2: {  	_ =	swait.ge [sflag:s12], $0x3000  }
0x1d3: {  	[sflag:s12] =	ssyncset.done $0x0  }
0x1d4: {  	[sflag:s12] =	ssyncadd.s32 $0xFFFFD000  }
0x1d5: {  	v12 =	vld [tilespmem:$0x190]  }
0x1d6: {  	v13 =	vld [tilespmem:$0x210];
	_ =	sdelay $0x3  }
0x1d7: {  	s19 =	simm.s32 $0x0;
	v12 =	vsub.f32 v12, v11  }
0x1d8: {  	v11 =	vsub.f32 v13, v11;
	v13 =	vadd.s32 s19, v0  }
0x1d9: {  	s21 =	simm.s32 $0x1;
	v14 =	vadd.s32 s19, v9;
	vm1 =	vgt.u32 v13, $0x2FF;
	v12 =	vmul.f32 v12, v10  }
0x1da: {  	v16 =	vadd.s32 s21, v9;
	v15 =	vmul.f32 v11, v10;
	v11 =	vsel vm1, v14, v13  }
0x1db: {  	v10 =	vadd.s32 s21, v0;
	v14 =	vshll.u32 v11, $0x3;
	v13 =	vadd.f32 $1.000000000e+00, v12  }
0x1dc: {  	vm1 =	vgt.u32 v10, $0x2FF;
	v11 =	vand.u32 $0x7F, v11;
	v14 =	vand.u32 $0xFFFFFC00, v14  }
0x1dd: {  	v10 =	vsel vm1, v16, v10;
	v11 =	vor.u32 v11, v14;
	(erf) = vrcp.f32 v13  }
0x1de: {  	v13 =	vshll.u32 v10, $0x3;
	v11 =	vadd.s32 v8, v11  }
0x1df: {  	v14 =	vadd.f32 $1.000000000e+00, v15;
	v10 =	vand.u32 $0x7F, v10;
	v13 =	vand.u32 $0xFFFFFC00, v13  }
0x1e0: {  	v10 =	vor.u32 v10, v13  }
0x1e1: {  	(erf) = vrcp.f32 v14;
	v14 =	vadd.s32 v8, v10;
	_ =	sdelay $0x1  }
0x1e2: {  	s9 =	simm.s32 $0x2;
	v18 =	vld.idx.msk [tilespmem:v11+s0+$0x0], $0xffff  }
0x1e3: {  	s20 =	simm.s32 $0x3;
	v13 =	vadd.s32 s9, v0;
	v17 =	vld.idx.msk [tilespmem:v11+s30+$0x0], $0xffff  }
0x1e4: {  	v19 =	vadd.s32 s20, v0;
	v16 =	vadd.s32 s9, v9;
	vm1 =	vgt.u32 v13, $0x2FF;
	v20 =	vld.idx.msk [tilespmem:v11+s29+$0x0], $0xffff  }
0x1e5: {  	v21 =	vadd.s32 s20, v9;
	v16 =	vsel vm1, v16, v13;
	vm1 =	vgt.u32 v19, $0x2FF;
	v22 =	vld.idx.msk [tilespmem:v14+s30+$0x0], $0xffff;
	v10 =	vpop (erf)  }
0x1e6: {  	v19 =	vsel vm1, v21, v19;
	v21 =	vld.idx.msk [tilespmem:v14+s29+$0x0], $0xffff;
	v13 =	vmul.f32 v10, v12;
	v12 =	vshll.u32 v16, $0x3  }
0x1e7: {  	v24 =	vld.idx.msk [tilespmem:v11+s5+$0x0], $0xffff;
	v23 =	vshll.u32 v19, $0x3;
	v16 =	vand.u32 $0x7F, v16;
	v12 =	vand.u32 $0xFFFFFC00, v12  }
0x1e8: {  	v25 =	vld.idx.msk [tilespmem:v11+s4+$0x0], $0xffff;
	v19 =	vand.u32 $0x7F, v19;
	v23 =	vand.u32 $0xFFFFFC00, v23;
	v12 =	vor.u32 v16, v12  }
0x1e9: {  	s20 =	simm.s32 $0x4;
	s21 =	simm.s32 $0x5;
	v26 =	vld.idx.msk [tilespmem:v14+s5+$0x0], $0xffff;
	v17 =	vmul.f32 v17, v10;
	v20 =	vmul.f32 v20, v13;
	v16 =	vadd.s32 v8, v12  }
0x1ea: {  	v29 =	vadd.s32 s20, v9;
	v63 =	vadd.s32 s21, v0;
	v27 =	vld.idx.msk [tilespmem:v14+s4+$0x0], $0xffff;
	v19 =	vor.u32 v19, v23  }
0x1eb: {  	v11 =	vpop (erf);
	v22 =	vmul.f32 v22, v10;
	v21 =	vmul.f32 v21, v13;
	v20 =	vadd.f32 v20, v17  }
0x1ec: {  	v28 =	vld.idx.msk [tilespmem:v14+s0+$0x0], $0xffff;
	v23 =	vadd.s32 s20, v0;
	v12 =	vmul.f32 v11, v15;
	v17 =	vadd.s32 v8, v19  }
0x1ed: {  	v21 =	vadd.f32 v21, v22;
	v19 =	vadd.f32 v25, v20;
	v20 =	vmul.f32 v24, v11  }
0x1ee: {  	vm1 =	vgt.u32 v23, $0x2FF;
	v15 =	vimm.f32 $0.0e+00;
	v22 =	vmul.f32 v18, v12;
	v14 =	vld.idx.msk [tilespmem:v16+s0+$0x0], $0xffff  }
0x1ef: {  	v25 =	vmul.f32 v26, v11;
	v21 =	vadd.f32 v27, v21;
	v18 =	vld.idx.msk [tilespmem:v16+s30+$0x0], $0xffff;
	v24 =	vsub.f32 v19, v20  }
0x1f0: {  	v26 =	vsel vm1, v29, v23;
	vm1 =	vgt.u32 v63, $0x2FF;
	v29 =	vadd.s32 s21, v9;
	v20 =	vld.idx.msk [tilespmem:v16+s29+$0x0], $0xffff  }
0x1f1: {  	v19 =	vld.idx.msk [tilespmem:v17+s30+$0x0], $0xffff;
	v23 =	vsub.f32 v21, v25;
	v22 =	vsub.f32 v24, v22;
	v24 =	vmul.f32 v28, v12  }
0x1f2: {  	s19 =	simm.s32 $0x6;
	v27 =	vshll.u32 v26, $0x3;
	v25 =	vand.u32 $0x7F, v26;
	v26 =	vsel vm1, v29, v63;
	v21 =	vld.idx.msk [tilespmem:v17+s29+$0x0], $0xffff  }
.LBB2_8:
0x1f3: {  	p0 =	slt.u32 s19, $0x2FE;
	v28 =	vshll.u32 v26, $0x3;
	v29 =	vld.idx.msk [tilespmem:v16+s5+$0x0], $0xffff;
	v22 =	vmul.f32 v22, v22;
	v23 =	vsub.f32 v23, v24  }
0x1f4: {  	v24 =	vand.u32 $0xFFFFFC00, v27;
	v26 =	vand.u32 $0x7F, v26;
	v27 =	vand.u32 $0xFFFFFC00, v28;
	v28 =	vld.idx.msk [tilespmem:v16+s4+$0x0], $0xffff  }
0x1f5: {  	v16 =	vor.u32 v25, v24;
	v24 =	vld.idx.msk [tilespmem:v17+s5+$0x0], $0xffff;
	v15 =	vadd.f32 v22, v15;
	v22 =	vmul.f32 v23, v23  }
0x1f6: {  	v18 =	vmul.f32 v18, v10;
	v16 =	vadd.s32 v8, v16;
	v20 =	vmul.f32 v20, v13;
	v23 =	vld.idx.msk [tilespmem:v17+s4+$0x0], $0xffff  }
0x1f7: {  	v25 =	vor.u32 v26, v27;
	v15 =	vadd.f32 v22, v15  }
0x1f8: {  	v19 =	vmul.f32 v19, v10;
	v18 =	vadd.f32 v20, v18;
	v20 =	vmul.f32 v21, v13;
	v26 =	vld.idx.msk [tilespmem:v17+s0+$0x0], $0xffff  }
0x1f9: {  	v21 =	vadd.s32 s19, v0;
	v22 =	vadd.s32 s19, v9;
	v17 =	vadd.s32 v8, v25  }
0x1fa: {  	s20 =	sadd.s32 $0x1, s19;
	v27 =	vmul.f32 v29, v11;
	v25 =	vadd.f32 v28, v18;
	v19 =	vadd.f32 v20, v19  }
.Ltmp3:
0x1fb: {  	vm1 =	vgt.u32 v21, $0x2FF;
	v29 =	vmul.f32 v14, v12;
	v28 =	vadd.s32 s20, v0;
	v14 =	vld.idx.msk [tilespmem:v16+s0+$0x0], $0xffff;
	(pc) =	sbr.rel @p0 .LBB2_8-.Ltmp3, $4  }
0x1fc: {  	v24 =	vmul.f32 v24, v11;
	v25 =	vsub.f32 v25, v27;
	v23 =	vadd.f32 v23, v19;
	v18 =	vld.idx.msk [tilespmem:v16+s30+$0x0], $0xffff  }
0x1fd: {  	v30 =	vadd.s32 s20, v9;
	v21 =	vsel vm1, v22, v21;
	vm1 =	vgt.u32 v28, $0x2FF;
	v20 =	vld.idx.msk [tilespmem:v16+s29+$0x0], $0xffff  }
0x1fe: {  	v22 =	vsub.f32 v25, v29;
	v23 =	vsub.f32 v23, v24;
	v24 =	vmul.f32 v26, v12;
	v19 =	vld.idx.msk [tilespmem:v17+s30+$0x0], $0xffff  }
0x1ff: {  	s19 =	sadd.s32 $0x2, s19;
	v27 =	vshll.u32 v21, $0x3;
	v25 =	vand.u32 $0x7F, v21;
	v26 =	vsel vm1, v30, v28;
	v21 =	vld.idx.msk [tilespmem:v17+s29+$0x0], $0xffff  }
0x200: {  	_ =	sdelay $0x1  }
0x201: {  	v9 =	vand.u32 $0xFFFFFC00, v27  }
0x202: {  	v9 =	vor.u32 v25, v9  }
0x203: {  	v39 =	vshll.u32 v26, $0x3;
	v40 =	vld.idx.msk [tilespmem:v16+s5+$0x0], $0xffff;
	v9 =	vadd.s32 v8, v9  }
0x204: {  	v41 =	vand.u32 $0x7F, v26;
	v42 =	vld.idx.msk [tilespmem:v16+s4+$0x0], $0xffff;
	v25 =	vand.u32 $0xFFFFFC00, v39  }
0x205: {  	v28 =	vld.idx.msk [tilespmem:v17+s5+$0x0], $0xffff;
	v25 =	vor.u32 v41, v25  }
0x206: {  	v43 =	vld.idx.msk [tilespmem:v17+s4+$0x0], $0xffff;
	v25 =	vadd.s32 v8, v25  }
0x207: {  	v44 =	vld.idx.msk [tilespmem:v17+s0+$0x0], $0xffff  }
0x208: {  	v29 =	vld.idx.msk [tilespmem:v9+s0+$0x0], $0xffff  }
0x209: {  	v45 =	vld.idx.msk [tilespmem:v9+s30+$0x0], $0xffff  }
0x20a: {  	v18 =	vmul.f32 v18, v10;
	v20 =	vmul.f32 v20, v13;
	v30 =	vld.idx.msk [tilespmem:v9+s29+$0x0], $0xffff  }
0x20b: {  	v23 =	vsub.f32 v23, v24;
	v22 =	vmul.f32 v22, v22;
	v46 =	vld.idx.msk [tilespmem:v25+s30+$0x0], $0xffff  }
0x20c: {  	v19 =	vmul.f32 v19, v10;
	v18 =	vadd.f32 v20, v18;
	v21 =	vmul.f32 v21, v13;
	v47 =	vld.idx.msk [tilespmem:v25+s29+$0x0], $0xffff  }
0x20d: {  	v14 =	vmul.f32 v14, v12;
	v23 =	vmul.f32 v23, v23;
	v15 =	vadd.f32 v22, v15;
	v49 =	vld.idx.msk [tilespmem:v9+s5+$0x0], $0xffff  }
0x20e: {  	v48 =	vmul.f32 v40, v11;
	v16 =	vadd.f32 v42, v18;
	v19 =	vadd.f32 v21, v19;
	v9 =	vld.idx.msk [tilespmem:v9+s4+$0x0], $0xffff  }
0x20f: {  	v15 =	vadd.f32 v23, v15;
	v50 =	vld.idx.msk [tilespmem:v25+s5+$0x0], $0xffff;
	v51 =	vmul.f32 v45, v10;
	v52 =	vmul.f32 v30, v13  }
0x210: {  	v53 =	vmul.f32 v28, v11;
	v16 =	vsub.f32 v16, v48;
	v19 =	vadd.f32 v43, v19;
	v54 =	vld.idx.msk [tilespmem:v25+s4+$0x0], $0xffff  }
0x211: {  	v10 =	vmul.f32 v46, v10;
	v55 =	vmul.f32 v47, v13;
	v21 =	vadd.f32 v52, v51  }
0x212: {  	v17 =	vmul.f32 v44, v12;
	v57 =	vld.idx.msk [tilespmem:v25+s0+$0x0], $0xffff;
	v14 =	vsub.f32 v16, v14;
	v56 =	vsub.f32 v19, v53  }
0x213: {  	v58 =	vmul.f32 v49, v11;
	v10 =	vadd.f32 v55, v10;
	v9 =	vadd.f32 v9, v21  }
0x214: {  	v59 =	vmul.f32 v14, v14;
	v60 =	vsub.f32 v56, v17;
	v61 =	vmul.f32 v29, v12  }
0x215: {  	v11 =	vmul.f32 v50, v11;
	v10 =	vadd.f32 v54, v10;
	v9 =	vsub.f32 v9, v58  }
0x216: {  	v13 =	vadd.f32 v59, v15;
	v14 =	vmul.f32 v60, v60  }
0x217: {  	v10 =	vsub.f32 v10, v11;
	v11 =	vmul.f32 v57, v12;
	v9 =	vsub.f32 v9, v61;
	_ =	sdelay $0x1  }
0x218: {  	v62 =	vadd.f32 v14, v13;
	v10 =	vsub.f32 v10, v11;
	v9 =	vmul.f32 v9, v9;
	_ =	sdelay $0x1  }
0x219: {  	v10 =	vmul.f32 v10, v10;
	v9 =	vadd.f32 v9, v62;
	_ =	sdelay $0x1  }
0x21a: {  	v9 =	vadd.f32 v10, v9;
	_ =	sdelay $0x1  }
0x21b: {  	v10 =	vshrl.u32 v9, $0x1;
	v11 =	vmul.f32 $5.000000000e-01, v9  }
0x21c: {  	v10 =	vsub.s32 $0x5F3759DF, v10  }
0x21d: {  	v63 =	vmul.f32 v10, v11;
	_ =	sdelay $0x1  }
0x21e: {  	v12 =	vmul.f32 v10, v63;
	_ =	sdelay $0x1  }
0x21f: {  	v12 =	vsub.f32 $1.500000000e+00, v12;
	_ =	sdelay $0x1  }
0x220: {  	v10 =	vmul.f32 v10, v12;
	_ =	sdelay $0x1  }
0x221: {  	v12 =	vmul.f32 v10, v11;
	_ =	sdelay $0x1  }
0x222: {  	v12 =	vmul.f32 v12, v10;
	_ =	sdelay $0x1  }
0x223: {  	v12 =	vsub.f32 $1.500000000e+00, v12;
	_ =	sdelay $0x1  }
0x224: {  	v10 =	vmul.f32 v12, v10;
	_ =	sdelay $0x1  }
0x225: {  	v11 =	vmul.f32 v10, v11;
	_ =	sdelay $0x1  }
0x226: {  	v11 =	vmul.f32 v11, v10;
	_ =	sdelay $0x1  }
0x227: {  	v11 =	vsub.f32 $1.500000000e+00, v11;
	_ =	sdelay $0x1  }
0x228: {  	v10 =	vmul.f32 v11, v10;
	_ =	sdelay $0x1  }
0x229: {  	v9 =	vmul.f32 v10, v9;
	_ =	sdelay $0x1  }
0x22a: {  	s19 =	rddreg [dreg:$0xf];
	s9 =	simm.s32 $0x1FEA0;
	[tilespmem:$0x1FEB0] =	vst v9  }
0x22b: {  	[hbm4b:s19+s7] =	stream.linear.scatter [tilespmem:s9], [sflag:$0x5], $0x20, $0x38;
	[tilespmem:$0x1FF20] =	vst v63  }
0x22c: {  	_ =	swait.ge [sflag:s23], $0x20  }
0x22d: {  	s28 =	sadd.s32 $0x1, s28;
	s21 =	rddreg [dreg:$0x10]  }
0x22e: {  	p0 =	sne.s32 s28, s21  }
.Ltmp4:
0x22f: {  	_ = 	snop;
	(pc) =	sbr.rel @p0 .LBB2_1-.Ltmp4, $3  }
0x230: {  	_ =	sdelay $0x1  }
0x231: {  	[sflag:s23] =	ssyncset.done $0x0  }
0x232: {  	[sflag:s23] =	ssyncadd.s32 $0xFFFFFFE0  }
0x233: {  	_ =	sfence.sel $0x180000  }
0x234: {  	[bflag:$0x0] =	sbarrier.arrive $0xFFFF  }
0x235: {  	_ =	strace $0x90000047  }
0x236: {  	s0 =	stileid.u32;
	[bflag:$0x2] =	sbarrier.arrive $0xFFFF  }
0x237: {  	p0 =	sne.s32 s0, $0x0;
	s0 =	rddreg [dreg:$0x9]  }
0x238: {  	s0 =	sadd.s32 @!p0 $0x100000, s0  }
0x239: {  	[sflag:s0] =	ssyncadd.tile.s32 @!p0 $0x1;
	_ =	shalt  }
.Lfunc_end2:
_tile_overlayer_lowered:
.L_overlay_start_2:
0x23a: {  	(tag) =	ssettag $0x2  }
0x23b: {  	s0 =	rddreg [dreg:$0x0];
	s2 =	stileid.u32  }
0x23c: {  	s1 =	rddreg [dreg:$0x1];
	p0 =	sne.s32 s2, $0x0  }
0x23d: {  	s3 =	rddreg [dreg:$0x2];
	[bflag:$0x3] =	sbarrier.arrive $0xFFFF;
	s2 =	simm.s32 @!p0 $0x1C05  }
0x23e: {  	[timem:s3], [sflag:s2] =	dma.local @!p0 [hbm:s0], s1  }
0x23f: {  	s0 =	simm.s32 @!p0 $0x5  }
0x240: {  	_ =	swait.ge @!p0 [sflag:s0], s1  }
0x241: {  	s1 =	ssub.s32 @!p0 $0x0, s1;
	[sflag:s0] =	ssyncset.done @!p0 $0x0  }
0x242: {  	[sflag:s0] =	ssyncadd.s32 @!p0 s1  }
0x243: {  	[bflag:$0x3] =	sbarrier.arrive $0xFFFF  }
0x244: {  	_ =	shalt  }

</sc_bundles>
